<compile_context>
chip_gen: v7x
topology: tpu7x:2x2x1
jax: 0.10.2.dev20260603
libtpu: 0.0.44.dev20260713+nightly
codegen_flags: <defaults>
</compile_context>

<pallas_src>
import functools

import jax
import jax.numpy as jnp
from jax import lax
from jax.experimental import pallas as pl
from jax.experimental.pallas import tpu as pltpu
from jax.experimental.pallas import tpu_sc as plsc

N = 10000
E = 320000
C = 16
KW = 64
DE = 16

NC = 2
NS = 16
NW = NC * NS
EW = E // NW
SEG = 80
CHUNK = 400
NCHUNK = EW // CHUNK
SPC = CHUNK // SEG
ST = 17
NPASS = 2
NHALF = N // NPASS
ACC_W = NHALF * ST



def _gather_body(xrp_hbm, src_hbm, xj_hbm, idx_v, rowsp_v, out_v, sem):
    wid = lax.axis_index("s") * NC + lax.axis_index("c")

    def chunk(c, carry):
        base = wid * EW + c * CHUNK
        pltpu.sync_copy(src_hbm.at[pl.ds(base, CHUNK)], idx_v)
        descs = [
            pltpu.async_copy(
                xrp_hbm.at[idx_v.at[pl.ds(k * SEG, SEG)]],
                rowsp_v.at[pl.ds(k * SEG, SEG)],
                sem,
            )
            for k in range(SPC)
        ]
        for d in descs:
            d.wait()

        def extract(r, carry2):
            for u in range(8):
                out_v[r * 8 + u] = rowsp_v[r * 8 + u, pl.ds(0, C)]
            return carry2

        lax.fori_loop(0, CHUNK // 8, extract, 0)
        pltpu.sync_copy(out_v, xj_hbm.at[pl.ds(base, CHUNK)])
        return carry

    lax.fori_loop(0, NCHUNK, chunk, 0)


def _scatter_body(msgf_hbm, dst_hbm, parts_hbm, idx_v, data_v, acc_v):
    wid = lax.axis_index("s") * NC + lax.axis_index("c")
    iota = lax.iota(jnp.int32, 16)
    mask0 = iota == 0
    ones16 = jnp.ones((16,), jnp.float32)

    def one_pass(p, carry):
        lo = p * NHALF

        def zrow(i, carry2):
            for u in range(8):
                acc_v[pl.ds((i * 8 + u) * 16, 16)] = jnp.zeros(
                    (16,), jnp.float32
                )
            return carry2

        lax.fori_loop(0, ACC_W // 128, zrow, 0)
        for u in range((ACC_W % 128 + 15) // 16):
            acc_v[pl.ds(min(ACC_W - 16, ACC_W // 128 * 128 + u * 16), 16)] = (
                jnp.zeros((16,), jnp.float32)
            )

        def chunk(c, carry2):
            base = wid * EW + c * CHUNK
            pltpu.sync_copy(
                msgf_hbm.at[pl.ds(base * C, CHUNK * C)], data_v
            )
            pltpu.sync_copy(dst_hbm.at[pl.ds(base, CHUNK)], idx_v)

            def frame(k, carry3):
                dstvec = idx_v[pl.ds(k * 16, 16)]
                for jj in range(16):
                    d = dstvec[jj]
                    ld = d - lo

                    @pl.when((ld >= 0) & (ld < NHALF))
                    def _():
                        upd = data_v[pl.ds((k * 16 + jj) * C, 16)]
                        plsc.addupdate_scatter(acc_v, [ld * ST + iota], upd)
                        plsc.addupdate_scatter(
                            acc_v, [ld * ST + 16 + iota * 0], ones16,
                            mask=mask0,
                        )

                return carry3

            lax.fori_loop(0, CHUNK // 16, frame, 0)
            return carry2

        lax.fori_loop(0, NCHUNK, chunk, 0)
        pltpu.sync_copy(
            acc_v, parts_hbm.at[pl.ds(wid * NPASS * ACC_W + p * ACC_W, ACC_W)]
        )
        return carry

    lax.fori_loop(0, NPASS, one_pass, 0)


@functools.lru_cache(maxsize=None)
def _sc_calls():
    mesh = plsc.VectorSubcoreMesh(
        core_axis_name="c", subcore_axis_name="s",
        num_cores=NC, num_subcores=NS,
    )
    gather_call = pl.kernel(
        _gather_body,
        out_type=jax.ShapeDtypeStruct((E, C), jnp.float32),
        mesh=mesh,
        scratch_types=[
            pltpu.VMEM((CHUNK,), jnp.int32),
            pltpu.VMEM((CHUNK, 128), jnp.float32),
            pltpu.VMEM((CHUNK, C), jnp.float32),
            pltpu.SemaphoreType.DMA,
        ],
    )
    scatter_call = pl.kernel(
        _scatter_body,
        out_type=jax.ShapeDtypeStruct((NW * NPASS * ACC_W,), jnp.float32),
        mesh=mesh,
        scratch_types=[
            pltpu.VMEM((CHUNK,), jnp.int32),
            pltpu.VMEM((CHUNK * C,), jnp.float32),
            pltpu.VMEM((ACC_W,), jnp.float32),
        ],
        compiler_params=pltpu.CompilerParams(needs_layout_passes=False),
    )
    return gather_call, scatter_call


def _prelu(x, a):
    return jnp.where(x >= 0, x, a * x)


def _mlp_body(ea_ref, xj_ref, w1, b1, a1, w2, b2, a2, w3, b3, a3, w4, b4,
              r_ref, s_ref, msg_ref):
    f32 = jnp.float32
    h = _prelu(jnp.dot(ea_ref[...], w1[...], preferred_element_type=f32)
               + b1[...], a1[0, 0])
    h = _prelu(jnp.dot(h, w2[...], preferred_element_type=f32)
               + b2[...], a2[0, 0])
    h = _prelu(jnp.dot(h, w3[...], preferred_element_type=f32)
               + b3[...], a3[0, 0])
    w = jnp.dot(h, w4[...], preferred_element_type=f32) + b4[...]
    xrep = jnp.dot(xj_ref[...], r_ref[...], preferred_element_type=f32)
    msg_ref[...] = jnp.dot(w * xrep, s_ref[...], preferred_element_type=f32)


def _combine_body(parts_ref, xr_ref, root, bias, aout, out_ref):
    acc = jnp.sum(parts_ref[...], axis=0)
    cnt = jnp.maximum(acc[:, C:C + 1], 1.0)
    mean = acc[:, :C] / cnt
    out = mean + jnp.dot(xr_ref[...], root[...],
                         preferred_element_type=jnp.float32) + bias[...]
    out_ref[...] = _prelu(out, aout[0, 0])


BE = 3200
BN = 200


def _full(shape):
    return pl.BlockSpec(shape, lambda i: (0,) * len(shape))


def kernel(xr, edge_index, edge_attr, W1, b1, a1, W2, b2, a2, W3, b3, a3,
           W4, b4, root, bias, a_out):
    f32 = jnp.float32
    src = edge_index[0]
    dst = edge_index[1]

    gather_call, scatter_call = _sc_calls()
    xrp = jnp.pad(xr, ((0, 0), (0, 128 - C)))
    xj = gather_call(xrp, src)

    cc = jnp.arange(C * C, dtype=jnp.int32)
    R = (cc[None, :] // C == jnp.arange(C, dtype=jnp.int32)[:, None]).astype(f32)
    S = (cc[:, None] % C == jnp.arange(C, dtype=jnp.int32)[None, :]).astype(f32)

    edge_spec = pl.BlockSpec((BE, C), lambda i: (i, 0))
    msg = pl.pallas_call(
        _mlp_body,
        grid=(E // BE,),
        in_specs=[
            edge_spec, edge_spec,
            _full((DE, KW)), _full((1, KW)), _full((1, 1)),
            _full((KW, KW)), _full((1, KW)), _full((1, 1)),
            _full((KW, KW)), _full((1, KW)), _full((1, 1)),
            _full((KW, C * C)), _full((1, C * C)),
            _full((C, C * C)), _full((C * C, C)),
        ],
        out_specs=edge_spec,
        out_shape=jax.ShapeDtypeStruct((E, C), f32),
    )(edge_attr, xj,
      W1, b1.reshape(1, KW), a1.reshape(1, 1),
      W2, b2.reshape(1, KW), a2.reshape(1, 1),
      W3, b3.reshape(1, KW), a3.reshape(1, 1),
      W4, b4.reshape(1, C * C), R, S)

    parts = scatter_call(msg.reshape(E * C), dst)
    parts = parts.reshape(NW, N, ST)

    parts_spec = pl.BlockSpec((NW, BN, ST), lambda i: (0, i, 0))
    node_spec = pl.BlockSpec((BN, C), lambda i: (i, 0))
    out = pl.pallas_call(
        _combine_body,
        grid=(N // BN,),
        in_specs=[
            parts_spec, node_spec,
            _full((C, C)), _full((1, C)), _full((1, 1)),
        ],
        out_specs=node_spec,
        out_shape=jax.ShapeDtypeStruct((N, C), f32),
    )(parts, xr, root, bias.reshape(1, C), a_out.reshape(1, 1))
    return out

# --- scband reference (transcript-rebuilt; emitter-appended) ---
"""Pipeline reference for scband-onestep-kernel-79267916415212 (READ-ONLY COPY).

The authoritative reference and input builder live on the scoring server;
editing this copy changes nothing except your own understanding.
"""

import jax, jax.numpy as jnp
import numpy as np

N = 10000
E = 320000
C = 16
KW = 64
DE = 16


def prelu(x, a):
    return jnp.where(x >= 0, x, a * x)


def setup_inputs(seed: int = 0) -> dict:
    key = jax.random.key(seed)
    ks = jax.random.split(key, 20)
    inp = {}
    inp["xr"] = jax.random.normal(ks[0], (N, C), dtype=jnp.float32)
    inp["edge_index"] = jax.random.randint(ks[1], (2, E), 0, N, dtype=jnp.int32)
    inp["edge_attr"] = jax.random.normal(ks[2], (E, DE), dtype=jnp.float32)
    # edge-MLP params: Linear(DE,KW) PReLU Linear(KW,KW) PReLU Linear(KW,KW) PReLU Linear(KW,C*C)
    inp["W1"] = jax.random.normal(ks[3], (DE, KW), dtype=jnp.float32) * 0.1
    inp["b1"] = jnp.zeros((KW,), dtype=jnp.float32)
    inp["a1"] = jnp.asarray(0.25, dtype=jnp.float32)
    inp["W2"] = jax.random.normal(ks[4], (KW, KW), dtype=jnp.float32) * 0.1
    inp["b2"] = jnp.zeros((KW,), dtype=jnp.float32)
    inp["a2"] = jnp.asarray(0.25, dtype=jnp.float32)
    inp["W3"] = jax.random.normal(ks[5], (KW, KW), dtype=jnp.float32) * 0.1
    inp["b3"] = jnp.zeros((KW,), dtype=jnp.float32)
    inp["a3"] = jnp.asarray(0.25, dtype=jnp.float32)
    inp["W4"] = jax.random.normal(ks[6], (KW, C * C), dtype=jnp.float32) * 0.1
    inp["b4"] = jnp.zeros((C * C,), dtype=jnp.float32)
    # NNConv root weight + bias
    inp["root"] = jax.random.normal(ks[7], (C, C), dtype=jnp.float32) * 0.1
    inp["bias"] = jnp.zeros((C,), dtype=jnp.float32)
    # outer PReLU
    inp["a_out"] = jnp.asarray(0.25, dtype=jnp.float32)
    return inp


def reference(xr, edge_index, edge_attr, W1, b1, a1, W2, b2, a2, W3, b3, a3, W4, b4, root, bias, a_out):
    # edge-conditioned weight generation (realaggr MLP)
    h = prelu(edge_attr @ W1 + b1, a1)
    h = prelu(h @ W2 + b2, a2)
    h = prelu(h @ W3 + b3, a3)
    w = (h @ W4 + b4).reshape(-1, C, C)  # [E, in, out]
    src = edge_index[0]
    dst = edge_index[1]
    # NNConv message: x_j @ W_e  (gather on src)
    xj = jnp.take(xr, src, axis=0)
    msg = jnp.einsum('ei,eio->eo', xj, w)
    # aggr='mean' over incoming edges per target node (scatter-add + count)
    sums = jax.ops.segment_sum(msg, dst, num_segments=N)
    cnt = jax.ops.segment_sum(jnp.ones((E,), dtype=msg.dtype), dst, num_segments=N)
    mean = sums / jnp.clip(cnt, 1.0)[:, None]
    # root weight + bias
    out = mean + xr @ root + bias
    # outer PReLU (nonlinearr)
    return prelu(out, a_out)

if __name__ == "__main__":
    import jax
    _d = setup_inputs()
    print(jax.jit(kernel)(*tuple(_d.values())))

</pallas_src>

<mosaic_0001>
#map = affine_map<(d0, d1) -> (0)>
module attributes {stable_mosaic.version = 14 : i64} {
  func.func @_scatter_body(%arg0: i32, %arg1: i32, %arg2: memref<5120000xf32, #tpu.memory_space<hbm>>, %arg3: memref<320000xi32, #tpu.memory_space<hbm>>, %arg4: memref<5440000xf32, #tpu.memory_space<hbm>>, %arg5: memref<400xi32, #tpu.memory_space<vmem>>, %arg6: memref<6400xf32, #tpu.memory_space<vmem>>, %arg7: memref<85000xf32, #tpu.memory_space<vmem>>) attributes {dimension_semantics = [#tpu.dimension_semantics<core_parallel>, #tpu.dimension_semantics<subcore_parallel>], iteration_bounds = array<i64: 2, 16>, scalar_prefetch = 0 : i64, scratch_operands = 3 : i64, tpu.core_type = #tpu.core_type<sc_vector_subcore>, window_params = [{transform_indices = #map}, {transform_indices = #map}, {transform_indices = #map}]} {
    %mul3A = arith.constant 2 : i32
    %mul3A_0 = arith.muli %arg1, %mul3A : i32
    %add3A = arith.addi %mul3A_0, %arg0 : i32
    %iota3A = tpu.iota {dimensions = array<i32: 0>} : vector<16xi32>
    %eq3A = arith.constant 0 : i32
    %eq3A_1 = vector.broadcast %eq3A : i32 to vector<16xi32>
    %eq3A_2 = arith.cmpi eq, %iota3A, %eq3A_1 : vector<16xi32>
    %broadcast_in_dim3A = arith.constant 1.000000e+00 : f32
    %broadcast_in_dim3A_3 = vector.broadcast %broadcast_in_dim3A : f32 to vector<16xf32>
    %scan3A = arith.constant 0 : i32
    %scan3A_4 = arith.constant 0 : i32
    %scan3A_5 = arith.constant 2 : i32
    %scan3A_6 = arith.addi %scan3A_4, %scan3A_5 : i32
    %scan3A_7 = arith.constant 1 : i32
    scf.for %scan3A_9 = %scan3A_4 to %scan3A_6 step %scan3A_7  : i32 {
      %mul3A_10 = arith.constant 5000 : i32
      %mul3A_11 = arith.muli %scan3A_9, %mul3A_10 : i32
      %scan3A_12 = arith.constant 0 : i32
      %scan3A_13 = arith.constant 0 : i32
      %scan3A_14 = arith.constant 664 : i32
      %scan3A_15 = arith.addi %scan3A_13, %scan3A_14 : i32
      %scan3A_16 = arith.constant 1 : i32
      scf.for %scan3A_34 = %scan3A_13 to %scan3A_15 step %scan3A_16  : i32 {
        %broadcast_in_dim3A_35 = arith.constant 0.000000e+00 : f32
        %broadcast_in_dim3A_36 = vector.broadcast %broadcast_in_dim3A_35 : f32 to vector<16xf32>
        %mul3A_37 = arith.constant 8 : i32
        %mul3A_38 = arith.muli %scan3A_34, %mul3A_37 : i32
        %add3A_39 = arith.constant 0 : i32
        %add3A_40 = arith.addi %mul3A_38, %add3A_39 : i32
        %mul3A_41 = arith.constant 16 : i32
        %mul3A_42 = arith.muli %add3A_40, %mul3A_41 : i32
        %swap3A_43 = arith.index_cast %mul3A_42 : i32 to index
        %swap3A_44 = tpu.vector_load %arg7[%swap3A_43] {strides = array<i32>} : memref<85000xf32, #tpu.memory_space<vmem>>, vector<16xf32>,
        tpu.vector_store %arg7[%swap3A_43], %broadcast_in_dim3A_36 {strides = array<i32>} : memref<85000xf32, #tpu.memory_space<vmem>>, vector<16xf32>,
        %broadcast_in_dim3A_45 = arith.constant 0.000000e+00 : f32
        %broadcast_in_dim3A_46 = vector.broadcast %broadcast_in_dim3A_45 : f32 to vector<16xf32>
        %mul3A_47 = arith.constant 8 : i32
        %mul3A_48 = arith.muli %scan3A_34, %mul3A_47 : i32
        %add3A_49 = arith.constant 1 : i32
        %add3A_50 = arith.addi %mul3A_48, %add3A_49 : i32
        %mul3A_51 = arith.constant 16 : i32
        %mul3A_52 = arith.muli %add3A_50, %mul3A_51 : i32
        %swap3A_53 = arith.index_cast %mul3A_52 : i32 to index
        %swap3A_54 = tpu.vector_load %arg7[%swap3A_53] {strides = array<i32>} : memref<85000xf32, #tpu.memory_space<vmem>>, vector<16xf32>,
        tpu.vector_store %arg7[%swap3A_53], %broadcast_in_dim3A_46 {strides = array<i32>} : memref<85000xf32, #tpu.memory_space<vmem>>, vector<16xf32>,
        %broadcast_in_dim3A_55 = arith.constant 0.000000e+00 : f32
        %broadcast_in_dim3A_56 = vector.broadcast %broadcast_in_dim3A_55 : f32 to vector<16xf32>
        %mul3A_57 = arith.constant 8 : i32
        %mul3A_58 = arith.muli %scan3A_34, %mul3A_57 : i32
        %add3A_59 = arith.constant 2 : i32
        %add3A_60 = arith.addi %mul3A_58, %add3A_59 : i32
        %mul3A_61 = arith.constant 16 : i32
        %mul3A_62 = arith.muli %add3A_60, %mul3A_61 : i32
        %swap3A_63 = arith.index_cast %mul3A_62 : i32 to index
        %swap3A_64 = tpu.vector_load %arg7[%swap3A_63] {strides = array<i32>} : memref<85000xf32, #tpu.memory_space<vmem>>, vector<16xf32>,
        tpu.vector_store %arg7[%swap3A_63], %broadcast_in_dim3A_56 {strides = array<i32>} : memref<85000xf32, #tpu.memory_space<vmem>>, vector<16xf32>,
        %broadcast_in_dim3A_65 = arith.constant 0.000000e+00 : f32
        %broadcast_in_dim3A_66 = vector.broadcast %broadcast_in_dim3A_65 : f32 to vector<16xf32>
        %mul3A_67 = arith.constant 8 : i32
        %mul3A_68 = arith.muli %scan3A_34, %mul3A_67 : i32
        %add3A_69 = arith.constant 3 : i32
        %add3A_70 = arith.addi %mul3A_68, %add3A_69 : i32
        %mul3A_71 = arith.constant 16 : i32
        %mul3A_72 = arith.muli %add3A_70, %mul3A_71 : i32
        %swap3A_73 = arith.index_cast %mul3A_72 : i32 to index
        %swap3A_74 = tpu.vector_load %arg7[%swap3A_73] {strides = array<i32>} : memref<85000xf32, #tpu.memory_space<vmem>>, vector<16xf32>,
        tpu.vector_store %arg7[%swap3A_73], %broadcast_in_dim3A_66 {strides = array<i32>} : memref<85000xf32, #tpu.memory_space<vmem>>, vector<16xf32>,
        %broadcast_in_dim3A_75 = arith.constant 0.000000e+00 : f32
        %broadcast_in_dim3A_76 = vector.broadcast %broadcast_in_dim3A_75 : f32 to vector<16xf32>
        %mul3A_77 = arith.constant 8 : i32
        %mul3A_78 = arith.muli %scan3A_34, %mul3A_77 : i32
        %add3A_79 = arith.constant 4 : i32
        %add3A_80 = arith.addi %mul3A_78, %add3A_79 : i32
        %mul3A_81 = arith.constant 16 : i32
        %mul3A_82 = arith.muli %add3A_80, %mul3A_81 : i32
        %swap3A_83 = arith.index_cast %mul3A_82 : i32 to index
        %swap3A_84 = tpu.vector_load %arg7[%swap3A_83] {strides = array<i32>} : memref<85000xf32, #tpu.memory_space<vmem>>, vector<16xf32>,
        tpu.vector_store %arg7[%swap3A_83], %broadcast_in_dim3A_76 {strides = array<i32>} : memref<85000xf32, #tpu.memory_space<vmem>>, vector<16xf32>,
        %broadcast_in_dim3A_85 = arith.constant 0.000000e+00 : f32
        %broadcast_in_dim3A_86 = vector.broadcast %broadcast_in_dim3A_85 : f32 to vector<16xf32>
        %mul3A_87 = arith.constant 8 : i32
        %mul3A_88 = arith.muli %scan3A_34, %mul3A_87 : i32
        %add3A_89 = arith.constant 5 : i32
        %add3A_90 = arith.addi %mul3A_88, %add3A_89 : i32
        %mul3A_91 = arith.constant 16 : i32
        %mul3A_92 = arith.muli %add3A_90, %mul3A_91 : i32
        %swap3A_93 = arith.index_cast %mul3A_92 : i32 to index
        %swap3A_94 = tpu.vector_load %arg7[%swap3A_93] {strides = array<i32>} : memref<85000xf32, #tpu.memory_space<vmem>>, vector<16xf32>,
        tpu.vector_store %arg7[%swap3A_93], %broadcast_in_dim3A_86 {strides = array<i32>} : memref<85000xf32, #tpu.memory_space<vmem>>, vector<16xf32>,
        %broadcast_in_dim3A_95 = arith.constant 0.000000e+00 : f32
        %broadcast_in_dim3A_96 = vector.broadcast %broadcast_in_dim3A_95 : f32 to vector<16xf32>
        %mul3A_97 = arith.constant 8 : i32
        %mul3A_98 = arith.muli %scan3A_34, %mul3A_97 : i32
        %add3A_99 = arith.constant 6 : i32
        %add3A_100 = arith.addi %mul3A_98, %add3A_99 : i32
        %mul3A_101 = arith.constant 16 : i32
        %mul3A_102 = arith.muli %add3A_100, %mul3A_101 : i32
        %swap3A_103 = arith.index_cast %mul3A_102 : i32 to index
        %swap3A_104 = tpu.vector_load %arg7[%swap3A_103] {strides = array<i32>} : memref<85000xf32, #tpu.memory_space<vmem>>, vector<16xf32>,
        tpu.vector_store %arg7[%swap3A_103], %broadcast_in_dim3A_96 {strides = array<i32>} : memref<85000xf32, #tpu.memory_space<vmem>>, vector<16xf32>,
        %broadcast_in_dim3A_105 = arith.constant 0.000000e+00 : f32
        %broadcast_in_dim3A_106 = vector.broadcast %broadcast_in_dim3A_105 : f32 to vector<16xf32>
        %mul3A_107 = arith.constant 8 : i32
        %mul3A_108 = arith.muli %scan3A_34, %mul3A_107 : i32
        %add3A_109 = arith.constant 7 : i32
        %add3A_110 = arith.addi %mul3A_108, %add3A_109 : i32
        %mul3A_111 = arith.constant 16 : i32
        %mul3A_112 = arith.muli %add3A_110, %mul3A_111 : i32
        %swap3A_113 = arith.index_cast %mul3A_112 : i32 to index
        %swap3A_114 = tpu.vector_load %arg7[%swap3A_113] {strides = array<i32>} : memref<85000xf32, #tpu.memory_space<vmem>>, vector<16xf32>,
        tpu.vector_store %arg7[%swap3A_113], %broadcast_in_dim3A_106 {strides = array<i32>} : memref<85000xf32, #tpu.memory_space<vmem>>, vector<16xf32>,
      }
      %scan3A_17 = arith.constant 664 : i32
      %broadcast_in_dim3A_18 = arith.constant 0.000000e+00 : f32
      %broadcast_in_dim3A_19 = vector.broadcast %broadcast_in_dim3A_18 : f32 to vector<16xf32>
      %swap3A = arith.constant 84984 : index
      %swap3A_20 = tpu.vector_load %arg7[%swap3A] {strides = array<i32>} : memref<85000xf32, #tpu.memory_space<vmem>>, vector<16xf32>,
      tpu.vector_store %arg7[%swap3A], %broadcast_in_dim3A_19 {strides = array<i32>} : memref<85000xf32, #tpu.memory_space<vmem>>, vector<16xf32>,
      %scan3A_21 = arith.constant 0 : i32
      %scan3A_22 = arith.constant 0 : i32
      %scan3A_23 = arith.constant 25 : i32
      %scan3A_24 = arith.addi %scan3A_22, %scan3A_23 : i32
      %scan3A_25 = arith.constant 1 : i32
      scf.for %scan3A_34 = %scan3A_22 to %scan3A_24 step %scan3A_25  : i32 {
        %mul3A_35 = arith.constant 10000 : i32
        %mul3A_36 = arith.muli %add3A, %mul3A_35 : i32
        %mul3A_37 = arith.constant 400 : i32
        %mul3A_38 = arith.muli %scan3A_34, %mul3A_37 : i32
        %add3A_39 = arith.addi %mul3A_36, %mul3A_38 : i32
        %mul3A_40 = arith.constant 16 : i32
        %mul3A_41 = arith.muli %add3A_39, %mul3A_40 : i32
        "tpu.region"() ({
          %run_scoped3A = tpu.sem_alloc : memref<!tpu.dma_semaphore, #tpu.memory_space<semaphore_mem>>
          %dma_start3A = tpu.memref_slice %arg2[%mul3A_41] : memref<5120000xf32, #tpu.memory_space<hbm>> -> memref<6400xf32, #tpu.memory_space<hbm>>
          %dma_start3A_48 = tpu.memref_slice %arg2[%mul3A_41] : memref<5120000xf32, #tpu.memory_space<hbm>> -> memref<6400xf32, #tpu.memory_space<hbm>>
          tpu.enqueue_dma source(%dma_start3A_48 : memref<6400xf32, #tpu.memory_space<hbm>>) target(%arg6 : memref<6400xf32, #tpu.memory_space<vmem>>) target_semaphore(%run_scoped3A : memref<!tpu.dma_semaphore, #tpu.memory_space<semaphore_mem>>)
          %dma_wait3A = tpu.memref_slice %arg2[%mul3A_41] : memref<5120000xf32, #tpu.memory_space<hbm>> -> memref<6400xf32, #tpu.memory_space<hbm>>
          %dma_wait3A_49 = tpu.memref_slice %arg2[%mul3A_41] : memref<5120000xf32, #tpu.memory_space<hbm>> -> memref<6400xf32, #tpu.memory_space<hbm>>
          tpu.wait_dma2 semaphore(%run_scoped3A : memref<!tpu.dma_semaphore, #tpu.memory_space<semaphore_mem>>) src(%dma_wait3A_49 : memref<6400xf32, #tpu.memory_space<hbm>>) dst(%arg6 : memref<6400xf32, #tpu.memory_space<vmem>>)
          tpu.yield
        }) : () -> ()
        "tpu.region"() ({
          %run_scoped3A = tpu.sem_alloc : memref<!tpu.dma_semaphore, #tpu.memory_space<semaphore_mem>>
          %dma_start3A = tpu.memref_slice %arg3[%add3A_39] : memref<320000xi32, #tpu.memory_space<hbm>> -> memref<400xi32, #tpu.memory_space<hbm>>
          %dma_start3A_48 = tpu.memref_slice %arg3[%add3A_39] : memref<320000xi32, #tpu.memory_space<hbm>> -> memref<400xi32, #tpu.memory_space<hbm>>
          tpu.enqueue_dma source(%dma_start3A_48 : memref<400xi32, #tpu.memory_space<hbm>>) target(%arg5 : memref<400xi32, #tpu.memory_space<vmem>>) target_semaphore(%run_scoped3A : memref<!tpu.dma_semaphore, #tpu.memory_space<semaphore_mem>>)
          %dma_wait3A = tpu.memref_slice %arg3[%add3A_39] : memref<320000xi32, #tpu.memory_space<hbm>> -> memref<400xi32, #tpu.memory_space<hbm>>
          %dma_wait3A_49 = tpu.memref_slice %arg3[%add3A_39] : memref<320000xi32, #tpu.memory_space<hbm>> -> memref<400xi32, #tpu.memory_space<hbm>>
          tpu.wait_dma2 semaphore(%run_scoped3A : memref<!tpu.dma_semaphore, #tpu.memory_space<semaphore_mem>>) src(%dma_wait3A_49 : memref<400xi32, #tpu.memory_space<hbm>>) dst(%arg5 : memref<400xi32, #tpu.memory_space<vmem>>)
          tpu.yield
        }) : () -> ()
        %scan3A_42 = arith.constant 0 : i32
        %scan3A_43 = arith.constant 0 : i32
        %scan3A_44 = arith.constant 25 : i32
        %scan3A_45 = arith.addi %scan3A_43, %scan3A_44 : i32
        %scan3A_46 = arith.constant 1 : i32
        scf.for %scan3A_48 = %scan3A_43 to %scan3A_45 step %scan3A_46  : i32 {
          %mul3A_49 = arith.constant 16 : i32
          %mul3A_50 = arith.muli %scan3A_48, %mul3A_49 : i32
          %get3A = arith.index_cast %mul3A_50 : i32 to index
          %get3A_51 = tpu.vector_load %arg5[%get3A] {strides = array<i32>} : memref<400xi32, #tpu.memory_space<vmem>>, vector<16xi32>,
          %slice3A = vector.extract_strided_slice %get3A_51 {offsets = [0], sizes = [1], strides = [1]} : vector<16xi32> to vector<1xi32>
          %squeeze3A = vector.extract %slice3A[0] : i32 from vector<1xi32>
          %sub3A = arith.subi %squeeze3A, %mul3A_11 : i32
          %ge3A = arith.constant 0 : i32
          %ge3A_52 = arith.cmpi sge, %sub3A, %ge3A : i32
          %lt3A = arith.constant 5000 : i32
          %lt3A_53 = arith.cmpi slt, %sub3A, %lt3A : i32
          %and3A = arith.andi %ge3A_52, %lt3A_53 : i1
          %convert_element_type3A = arith.extui %and3A : i1 to i32
          %cond3A = arith.constant 0 : i32
          %cond3A_54 = arith.cmpi ne, %convert_element_type3A, %cond3A : i32
          scf.if %cond3A_54 {
            %mul3A_220 = arith.constant 16 : i32
            %mul3A_221 = arith.muli %scan3A_48, %mul3A_220 : i32
            %add3A_222 = arith.constant 0 : i32
            %add3A_223 = arith.addi %mul3A_221, %add3A_222 : i32
            %mul3A_224 = arith.constant 16 : i32
            %mul3A_225 = arith.muli %add3A_223, %mul3A_224 : i32
            %get3A_226 = arith.index_cast %mul3A_225 : i32 to index
            %get3A_227 = tpu.vector_load %arg6[%get3A_226] {strides = array<i32>} : memref<6400xf32, #tpu.memory_space<vmem>>, vector<16xf32>,
            %mul3A_228 = arith.constant 17 : i32
            %mul3A_229 = arith.muli %sub3A, %mul3A_228 : i32
            %add3A_230 = vector.broadcast %mul3A_229 : i32 to vector<16xi32>
            %add3A_231 = arith.addi %add3A_230, %iota3A : vector<16xi32>
            tpu.vector_store_idx %arg7[%add3A_231], %get3A_227 {add = true} : memref<85000xf32, #tpu.memory_space<vmem>>[vector<16xi32>], vector<16xf32>,
            %mul3A_232 = arith.constant 17 : i32
            %mul3A_233 = arith.muli %sub3A, %mul3A_232 : i32
            %add3A_234 = arith.constant 16 : i32
            %add3A_235 = arith.addi %mul3A_233, %add3A_234 : i32
            %mul3A_236 = arith.constant 0 : i32
            %mul3A_237 = vector.broadcast %mul3A_236 : i32 to vector<16xi32>
            %mul3A_238 = arith.muli %iota3A, %mul3A_237 : vector<16xi32>
            %add3A_239 = vector.broadcast %add3A_235 : i32 to vector<16xi32>
            %add3A_240 = arith.addi %add3A_239, %mul3A_238 : vector<16xi32>
            tpu.vector_store_idx %arg7[%add3A_240], %broadcast_in_dim3A_3 masked %eq3A_2 {add = true} : memref<85000xf32, #tpu.memory_space<vmem>>[vector<16xi32>], vector<16xf32>, vector<16xi1>
          } else {
          }
          %slice3A_55 = vector.extract_strided_slice %get3A_51 {offsets = [1], sizes = [1], strides = [1]} : vector<16xi32> to vector<1xi32>
          %squeeze3A_56 = vector.extract %slice3A_55[0] : i32 from vector<1xi32>
          %sub3A_57 = arith.subi %squeeze3A_56, %mul3A_11 : i32
          %ge3A_58 = arith.constant 0 : i32
          %ge3A_59 = arith.cmpi sge, %sub3A_57, %ge3A_58 : i32
          %lt3A_60 = arith.constant 5000 : i32
          %lt3A_61 = arith.cmpi slt, %sub3A_57, %lt3A_60 : i32
          %and3A_62 = arith.andi %ge3A_59, %lt3A_61 : i1
          %convert_element_type3A_63 = arith.extui %and3A_62 : i1 to i32
          %cond3A_64 = arith.constant 0 : i32
          %cond3A_65 = arith.cmpi ne, %convert_element_type3A_63, %cond3A_64 : i32
          scf.if %cond3A_65 {
            %mul3A_220 = arith.constant 16 : i32
            %mul3A_221 = arith.muli %scan3A_48, %mul3A_220 : i32
            %add3A_222 = arith.constant 1 : i32
            %add3A_223 = arith.addi %mul3A_221, %add3A_222 : i32
            %mul3A_224 = arith.constant 16 : i32
            %mul3A_225 = arith.muli %add3A_223, %mul3A_224 : i32
            %get3A_226 = arith.index_cast %mul3A_225 : i32 to index
            %get3A_227 = tpu.vector_load %arg6[%get3A_226] {strides = array<i32>} : memref<6400xf32, #tpu.memory_space<vmem>>, vector<16xf32>,
            %mul3A_228 = arith.constant 17 : i32
            %mul3A_229 = arith.muli %sub3A_57, %mul3A_228 : i32
            %add3A_230 = vector.broadcast %mul3A_229 : i32 to vector<16xi32>
            %add3A_231 = arith.addi %add3A_230, %iota3A : vector<16xi32>
            tpu.vector_store_idx %arg7[%add3A_231], %get3A_227 {add = true} : memref<85000xf32, #tpu.memory_space<vmem>>[vector<16xi32>], vector<16xf32>,
            %mul3A_232 = arith.constant 17 : i32
            %mul3A_233 = arith.muli %sub3A_57, %mul3A_232 : i32
            %add3A_234 = arith.constant 16 : i32
            %add3A_235 = arith.addi %mul3A_233, %add3A_234 : i32
            %mul3A_236 = arith.constant 0 : i32
            %mul3A_237 = vector.broadcast %mul3A_236 : i32 to vector<16xi32>
            %mul3A_238 = arith.muli %iota3A, %mul3A_237 : vector<16xi32>
            %add3A_239 = vector.broadcast %add3A_235 : i32 to vector<16xi32>
            %add3A_240 = arith.addi %add3A_239, %mul3A_238 : vector<16xi32>
            tpu.vector_store_idx %arg7[%add3A_240], %broadcast_in_dim3A_3 masked %eq3A_2 {add = true} : memref<85000xf32, #tpu.memory_space<vmem>>[vector<16xi32>], vector<16xf32>, vector<16xi1>
          } else {
          }
          %slice3A_66 = vector.extract_strided_slice %get3A_51 {offsets = [2], sizes = [1], strides = [1]} : vector<16xi32> to vector<1xi32>
          %squeeze3A_67 = vector.extract %slice3A_66[0] : i32 from vector<1xi32>
          %sub3A_68 = arith.subi %squeeze3A_67, %mul3A_11 : i32
          %ge3A_69 = arith.constant 0 : i32
          %ge3A_70 = arith.cmpi sge, %sub3A_68, %ge3A_69 : i32
          %lt3A_71 = arith.constant 5000 : i32
          %lt3A_72 = arith.cmpi slt, %sub3A_68, %lt3A_71 : i32
          %and3A_73 = arith.andi %ge3A_70, %lt3A_72 : i1
          %convert_element_type3A_74 = arith.extui %and3A_73 : i1 to i32
          %cond3A_75 = arith.constant 0 : i32
          %cond3A_76 = arith.cmpi ne, %convert_element_type3A_74, %cond3A_75 : i32
          scf.if %cond3A_76 {
            %mul3A_220 = arith.constant 16 : i32
            %mul3A_221 = arith.muli %scan3A_48, %mul3A_220 : i32
            %add3A_222 = arith.constant 2 : i32
            %add3A_223 = arith.addi %mul3A_221, %add3A_222 : i32
            %mul3A_224 = arith.constant 16 : i32
            %mul3A_225 = arith.muli %add3A_223, %mul3A_224 : i32
            %get3A_226 = arith.index_cast %mul3A_225 : i32 to index
            %get3A_227 = tpu.vector_load %arg6[%get3A_226] {strides = array<i32>} : memref<6400xf32, #tpu.memory_space<vmem>>, vector<16xf32>,
            %mul3A_228 = arith.constant 17 : i32
            %mul3A_229 = arith.muli %sub3A_68, %mul3A_228 : i32
            %add3A_230 = vector.broadcast %mul3A_229 : i32 to vector<16xi32>
            %add3A_231 = arith.addi %add3A_230, %iota3A : vector<16xi32>
            tpu.vector_store_idx %arg7[%add3A_231], %get3A_227 {add = true} : memref<85000xf32, #tpu.memory_space<vmem>>[vector<16xi32>], vector<16xf32>,
            %mul3A_232 = arith.constant 17 : i32
            %mul3A_233 = arith.muli %sub3A_68, %mul3A_232 : i32
            %add3A_234 = arith.constant 16 : i32
            %add3A_235 = arith.addi %mul3A_233, %add3A_234 : i32
            %mul3A_236 = arith.constant 0 : i32
            %mul3A_237 = vector.broadcast %mul3A_236 : i32 to vector<16xi32>
            %mul3A_238 = arith.muli %iota3A, %mul3A_237 : vector<16xi32>
            %add3A_239 = vector.broadcast %add3A_235 : i32 to vector<16xi32>
            %add3A_240 = arith.addi %add3A_239, %mul3A_238 : vector<16xi32>
            tpu.vector_store_idx %arg7[%add3A_240], %broadcast_in_dim3A_3 masked %eq3A_2 {add = true} : memref<85000xf32, #tpu.memory_space<vmem>>[vector<16xi32>], vector<16xf32>, vector<16xi1>
          } else {
          }
          %slice3A_77 = vector.extract_strided_slice %get3A_51 {offsets = [3], sizes = [1], strides = [1]} : vector<16xi32> to vector<1xi32>
          %squeeze3A_78 = vector.extract %slice3A_77[0] : i32 from vector<1xi32>
          %sub3A_79 = arith.subi %squeeze3A_78, %mul3A_11 : i32
          %ge3A_80 = arith.constant 0 : i32
          %ge3A_81 = arith.cmpi sge, %sub3A_79, %ge3A_80 : i32
          %lt3A_82 = arith.constant 5000 : i32
          %lt3A_83 = arith.cmpi slt, %sub3A_79, %lt3A_82 : i32
          %and3A_84 = arith.andi %ge3A_81, %lt3A_83 : i1
          %convert_element_type3A_85 = arith.extui %and3A_84 : i1 to i32
          %cond3A_86 = arith.constant 0 : i32
          %cond3A_87 = arith.cmpi ne, %convert_element_type3A_85, %cond3A_86 : i32
          scf.if %cond3A_87 {
            %mul3A_220 = arith.constant 16 : i32
            %mul3A_221 = arith.muli %scan3A_48, %mul3A_220 : i32
            %add3A_222 = arith.constant 3 : i32
            %add3A_223 = arith.addi %mul3A_221, %add3A_222 : i32
            %mul3A_224 = arith.constant 16 : i32
            %mul3A_225 = arith.muli %add3A_223, %mul3A_224 : i32
            %get3A_226 = arith.index_cast %mul3A_225 : i32 to index
            %get3A_227 = tpu.vector_load %arg6[%get3A_226] {strides = array<i32>} : memref<6400xf32, #tpu.memory_space<vmem>>, vector<16xf32>,
            %mul3A_228 = arith.constant 17 : i32
            %mul3A_229 = arith.muli %sub3A_79, %mul3A_228 : i32
            %add3A_230 = vector.broadcast %mul3A_229 : i32 to vector<16xi32>
            %add3A_231 = arith.addi %add3A_230, %iota3A : vector<16xi32>
            tpu.vector_store_idx %arg7[%add3A_231], %get3A_227 {add = true} : memref<85000xf32, #tpu.memory_space<vmem>>[vector<16xi32>], vector<16xf32>,
            %mul3A_232 = arith.constant 17 : i32
            %mul3A_233 = arith.muli %sub3A_79, %mul3A_232 : i32
            %add3A_234 = arith.constant 16 : i32
            %add3A_235 = arith.addi %mul3A_233, %add3A_234 : i32
            %mul3A_236 = arith.constant 0 : i32
            %mul3A_237 = vector.broadcast %mul3A_236 : i32 to vector<16xi32>
            %mul3A_238 = arith.muli %iota3A, %mul3A_237 : vector<16xi32>
            %add3A_239 = vector.broadcast %add3A_235 : i32 to vector<16xi32>
            %add3A_240 = arith.addi %add3A_239, %mul3A_238 : vector<16xi32>
            tpu.vector_store_idx %arg7[%add3A_240], %broadcast_in_dim3A_3 masked %eq3A_2 {add = true} : memref<85000xf32, #tpu.memory_space<vmem>>[vector<16xi32>], vector<16xf32>, vector<16xi1>
          } else {
          }
          %slice3A_88 = vector.extract_strided_slice %get3A_51 {offsets = [4], sizes = [1], strides = [1]} : vector<16xi32> to vector<1xi32>
          %squeeze3A_89 = vector.extract %slice3A_88[0] : i32 from vector<1xi32>
          %sub3A_90 = arith.subi %squeeze3A_89, %mul3A_11 : i32
          %ge3A_91 = arith.constant 0 : i32
          %ge3A_92 = arith.cmpi sge, %sub3A_90, %ge3A_91 : i32
          %lt3A_93 = arith.constant 5000 : i32
          %lt3A_94 = arith.cmpi slt, %sub3A_90, %lt3A_93 : i32
          %and3A_95 = arith.andi %ge3A_92, %lt3A_94 : i1
          %convert_element_type3A_96 = arith.extui %and3A_95 : i1 to i32
          %cond3A_97 = arith.constant 0 : i32
          %cond3A_98 = arith.cmpi ne, %convert_element_type3A_96, %cond3A_97 : i32
          scf.if %cond3A_98 {
            %mul3A_220 = arith.constant 16 : i32
            %mul3A_221 = arith.muli %scan3A_48, %mul3A_220 : i32
            %add3A_222 = arith.constant 4 : i32
            %add3A_223 = arith.addi %mul3A_221, %add3A_222 : i32
            %mul3A_224 = arith.constant 16 : i32
            %mul3A_225 = arith.muli %add3A_223, %mul3A_224 : i32
            %get3A_226 = arith.index_cast %mul3A_225 : i32 to index
            %get3A_227 = tpu.vector_load %arg6[%get3A_226] {strides = array<i32>} : memref<6400xf32, #tpu.memory_space<vmem>>, vector<16xf32>,
            %mul3A_228 = arith.constant 17 : i32
            %mul3A_229 = arith.muli %sub3A_90, %mul3A_228 : i32
            %add3A_230 = vector.broadcast %mul3A_229 : i32 to vector<16xi32>
            %add3A_231 = arith.addi %add3A_230, %iota3A : vector<16xi32>
            tpu.vector_store_idx %arg7[%add3A_231], %get3A_227 {add = true} : memref<85000xf32, #tpu.memory_space<vmem>>[vector<16xi32>], vector<16xf32>,
            %mul3A_232 = arith.constant 17 : i32
            %mul3A_233 = arith.muli %sub3A_90, %mul3A_232 : i32
            %add3A_234 = arith.constant 16 : i32
            %add3A_235 = arith.addi %mul3A_233, %add3A_234 : i32
            %mul3A_236 = arith.constant 0 : i32
            %mul3A_237 = vector.broadcast %mul3A_236 : i32 to vector<16xi32>
            %mul3A_238 = arith.muli %iota3A, %mul3A_237 : vector<16xi32>
            %add3A_239 = vector.broadcast %add3A_235 : i32 to vector<16xi32>
            %add3A_240 = arith.addi %add3A_239, %mul3A_238 : vector<16xi32>
            tpu.vector_store_idx %arg7[%add3A_240], %broadcast_in_dim3A_3 masked %eq3A_2 {add = true} : memref<85000xf32, #tpu.memory_space<vmem>>[vector<16xi32>], vector<16xf32>, vector<16xi1>
          } else {
          }
          %slice3A_99 = vector.extract_strided_slice %get3A_51 {offsets = [5], sizes = [1], strides = [1]} : vector<16xi32> to vector<1xi32>
          %squeeze3A_100 = vector.extract %slice3A_99[0] : i32 from vector<1xi32>
          %sub3A_101 = arith.subi %squeeze3A_100, %mul3A_11 : i32
          %ge3A_102 = arith.constant 0 : i32
          %ge3A_103 = arith.cmpi sge, %sub3A_101, %ge3A_102 : i32
          %lt3A_104 = arith.constant 5000 : i32
          %lt3A_105 = arith.cmpi slt, %sub3A_101, %lt3A_104 : i32
          %and3A_106 = arith.andi %ge3A_103, %lt3A_105 : i1
          %convert_element_type3A_107 = arith.extui %and3A_106 : i1 to i32
          %cond3A_108 = arith.constant 0 : i32
          %cond3A_109 = arith.cmpi ne, %convert_element_type3A_107, %cond3A_108 : i32
          scf.if %cond3A_109 {
            %mul3A_220 = arith.constant 16 : i32
            %mul3A_221 = arith.muli %scan3A_48, %mul3A_220 : i32
            %add3A_222 = arith.constant 5 : i32
            %add3A_223 = arith.addi %mul3A_221, %add3A_222 : i32
            %mul3A_224 = arith.constant 16 : i32
            %mul3A_225 = arith.muli %add3A_223, %mul3A_224 : i32
            %get3A_226 = arith.index_cast %mul3A_225 : i32 to index
            %get3A_227 = tpu.vector_load %arg6[%get3A_226] {strides = array<i32>} : memref<6400xf32, #tpu.memory_space<vmem>>, vector<16xf32>,
            %mul3A_228 = arith.constant 17 : i32
            %mul3A_229 = arith.muli %sub3A_101, %mul3A_228 : i32
            %add3A_230 = vector.broadcast %mul3A_229 : i32 to vector<16xi32>
            %add3A_231 = arith.addi %add3A_230, %iota3A : vector<16xi32>
            tpu.vector_store_idx %arg7[%add3A_231], %get3A_227 {add = true} : memref<85000xf32, #tpu.memory_space<vmem>>[vector<16xi32>], vector<16xf32>,
            %mul3A_232 = arith.constant 17 : i32
            %mul3A_233 = arith.muli %sub3A_101, %mul3A_232 : i32
            %add3A_234 = arith.constant 16 : i32
            %add3A_235 = arith.addi %mul3A_233, %add3A_234 : i32
            %mul3A_236 = arith.constant 0 : i32
            %mul3A_237 = vector.broadcast %mul3A_236 : i32 to vector<16xi32>
            %mul3A_238 = arith.muli %iota3A, %mul3A_237 : vector<16xi32>
            %add3A_239 = vector.broadcast %add3A_235 : i32 to vector<16xi32>
            %add3A_240 = arith.addi %add3A_239, %mul3A_238 : vector<16xi32>
            tpu.vector_store_idx %arg7[%add3A_240], %broadcast_in_dim3A_3 masked %eq3A_2 {add = true} : memref<85000xf32, #tpu.memory_space<vmem>>[vector<16xi32>], vector<16xf32>, vector<16xi1>
          } else {
          }
          %slice3A_110 = vector.extract_strided_slice %get3A_51 {offsets = [6], sizes = [1], strides = [1]} : vector<16xi32> to vector<1xi32>
          %squeeze3A_111 = vector.extract %slice3A_110[0] : i32 from vector<1xi32>
          %sub3A_112 = arith.subi %squeeze3A_111, %mul3A_11 : i32
          %ge3A_113 = arith.constant 0 : i32
          %ge3A_114 = arith.cmpi sge, %sub3A_112, %ge3A_113 : i32
          %lt3A_115 = arith.constant 5000 : i32
          %lt3A_116 = arith.cmpi slt, %sub3A_112, %lt3A_115 : i32
          %and3A_117 = arith.andi %ge3A_114, %lt3A_116 : i1
          %convert_element_type3A_118 = arith.extui %and3A_117 : i1 to i32
          %cond3A_119 = arith.constant 0 : i32
          %cond3A_120 = arith.cmpi ne, %convert_element_type3A_118, %cond3A_119 : i32
          scf.if %cond3A_120 {
            %mul3A_220 = arith.constant 16 : i32
            %mul3A_221 = arith.muli %scan3A_48, %mul3A_220 : i32
            %add3A_222 = arith.constant 6 : i32
            %add3A_223 = arith.addi %mul3A_221, %add3A_222 : i32
            %mul3A_224 = arith.constant 16 : i32
            %mul3A_225 = arith.muli %add3A_223, %mul3A_224 : i32
            %get3A_226 = arith.index_cast %mul3A_225 : i32 to index
            %get3A_227 = tpu.vector_load %arg6[%get3A_226] {strides = array<i32>} : memref<6400xf32, #tpu.memory_space<vmem>>, vector<16xf32>,
            %mul3A_228 = arith.constant 17 : i32
            %mul3A_229 = arith.muli %sub3A_112, %mul3A_228 : i32
            %add3A_230 = vector.broadcast %mul3A_229 : i32 to vector<16xi32>
            %add3A_231 = arith.addi %add3A_230, %iota3A : vector<16xi32>
            tpu.vector_store_idx %arg7[%add3A_231], %get3A_227 {add = true} : memref<85000xf32, #tpu.memory_space<vmem>>[vector<16xi32>], vector<16xf32>,
            %mul3A_232 = arith.constant 17 : i32
            %mul3A_233 = arith.muli %sub3A_112, %mul3A_232 : i32
            %add3A_234 = arith.constant 16 : i32
            %add3A_235 = arith.addi %mul3A_233, %add3A_234 : i32
            %mul3A_236 = arith.constant 0 : i32
            %mul3A_237 = vector.broadcast %mul3A_236 : i32 to vector<16xi32>
            %mul3A_238 = arith.muli %iota3A, %mul3A_237 : vector<16xi32>
            %add3A_239 = vector.broadcast %add3A_235 : i32 to vector<16xi32>
            %add3A_240 = arith.addi %add3A_239, %mul3A_238 : vector<16xi32>
            tpu.vector_store_idx %arg7[%add3A_240], %broadcast_in_dim3A_3 masked %eq3A_2 {add = true} : memref<85000xf32, #tpu.memory_space<vmem>>[vector<16xi32>], vector<16xf32>, vector<16xi1>
          } else {
          }
          %slice3A_121 = vector.extract_strided_slice %get3A_51 {offsets = [7], sizes = [1], strides = [1]} : vector<16xi32> to vector<1xi32>
          %squeeze3A_122 = vector.extract %slice3A_121[0] : i32 from vector<1xi32>
          %sub3A_123 = arith.subi %squeeze3A_122, %mul3A_11 : i32
          %ge3A_124 = arith.constant 0 : i32
          %ge3A_125 = arith.cmpi sge, %sub3A_123, %ge3A_124 : i32
          %lt3A_126 = arith.constant 5000 : i32
          %lt3A_127 = arith.cmpi slt, %sub3A_123, %lt3A_126 : i32
          %and3A_128 = arith.andi %ge3A_125, %lt3A_127 : i1
          %convert_element_type3A_129 = arith.extui %and3A_128 : i1 to i32
          %cond3A_130 = arith.constant 0 : i32
          %cond3A_131 = arith.cmpi ne, %convert_element_type3A_129, %cond3A_130 : i32
          scf.if %cond3A_131 {
            %mul3A_220 = arith.constant 16 : i32
            %mul3A_221 = arith.muli %scan3A_48, %mul3A_220 : i32
            %add3A_222 = arith.constant 7 : i32
            %add3A_223 = arith.addi %mul3A_221, %add3A_222 : i32
            %mul3A_224 = arith.constant 16 : i32
            %mul3A_225 = arith.muli %add3A_223, %mul3A_224 : i32
            %get3A_226 = arith.index_cast %mul3A_225 : i32 to index
            %get3A_227 = tpu.vector_load %arg6[%get3A_226] {strides = array<i32>} : memref<6400xf32, #tpu.memory_space<vmem>>, vector<16xf32>,
            %mul3A_228 = arith.constant 17 : i32
            %mul3A_229 = arith.muli %sub3A_123, %mul3A_228 : i32
            %add3A_230 = vector.broadcast %mul3A_229 : i32 to vector<16xi32>
            %add3A_231 = arith.addi %add3A_230, %iota3A : vector<16xi32>
            tpu.vector_store_idx %arg7[%add3A_231], %get3A_227 {add = true} : memref<85000xf32, #tpu.memory_space<vmem>>[vector<16xi32>], vector<16xf32>,
            %mul3A_232 = arith.constant 17 : i32
            %mul3A_233 = arith.muli %sub3A_123, %mul3A_232 : i32
            %add3A_234 = arith.constant 16 : i32
            %add3A_235 = arith.addi %mul3A_233, %add3A_234 : i32
            %mul3A_236 = arith.constant 0 : i32
            %mul3A_237 = vector.broadcast %mul3A_236 : i32 to vector<16xi32>
            %mul3A_238 = arith.muli %iota3A, %mul3A_237 : vector<16xi32>
            %add3A_239 = vector.broadcast %add3A_235 : i32 to vector<16xi32>
            %add3A_240 = arith.addi %add3A_239, %mul3A_238 : vector<16xi32>
            tpu.vector_store_idx %arg7[%add3A_240], %broadcast_in_dim3A_3 masked %eq3A_2 {add = true} : memref<85000xf32, #tpu.memory_space<vmem>>[vector<16xi32>], vector<16xf32>, vector<16xi1>
          } else {
          }
          %slice3A_132 = vector.extract_strided_slice %get3A_51 {offsets = [8], sizes = [1], strides = [1]} : vector<16xi32> to vector<1xi32>
          %squeeze3A_133 = vector.extract %slice3A_132[0] : i32 from vector<1xi32>
          %sub3A_134 = arith.subi %squeeze3A_133, %mul3A_11 : i32
          %ge3A_135 = arith.constant 0 : i32
          %ge3A_136 = arith.cmpi sge, %sub3A_134, %ge3A_135 : i32
          %lt3A_137 = arith.constant 5000 : i32
          %lt3A_138 = arith.cmpi slt, %sub3A_134, %lt3A_137 : i32
          %and3A_139 = arith.andi %ge3A_136, %lt3A_138 : i1
          %convert_element_type3A_140 = arith.extui %and3A_139 : i1 to i32
          %cond3A_141 = arith.constant 0 : i32
          %cond3A_142 = arith.cmpi ne, %convert_element_type3A_140, %cond3A_141 : i32
          scf.if %cond3A_142 {
            %mul3A_220 = arith.constant 16 : i32
            %mul3A_221 = arith.muli %scan3A_48, %mul3A_220 : i32
            %add3A_222 = arith.constant 8 : i32
            %add3A_223 = arith.addi %mul3A_221, %add3A_222 : i32
            %mul3A_224 = arith.constant 16 : i32
            %mul3A_225 = arith.muli %add3A_223, %mul3A_224 : i32
            %get3A_226 = arith.index_cast %mul3A_225 : i32 to index
            %get3A_227 = tpu.vector_load %arg6[%get3A_226] {strides = array<i32>} : memref<6400xf32, #tpu.memory_space<vmem>>, vector<16xf32>,
            %mul3A_228 = arith.constant 17 : i32
            %mul3A_229 = arith.muli %sub3A_134, %mul3A_228 : i32
            %add3A_230 = vector.broadcast %mul3A_229 : i32 to vector<16xi32>
            %add3A_231 = arith.addi %add3A_230, %iota3A : vector<16xi32>
            tpu.vector_store_idx %arg7[%add3A_231], %get3A_227 {add = true} : memref<85000xf32, #tpu.memory_space<vmem>>[vector<16xi32>], vector<16xf32>,
            %mul3A_232 = arith.constant 17 : i32
            %mul3A_233 = arith.muli %sub3A_134, %mul3A_232 : i32
            %add3A_234 = arith.constant 16 : i32
            %add3A_235 = arith.addi %mul3A_233, %add3A_234 : i32
            %mul3A_236 = arith.constant 0 : i32
            %mul3A_237 = vector.broadcast %mul3A_236 : i32 to vector<16xi32>
            %mul3A_238 = arith.muli %iota3A, %mul3A_237 : vector<16xi32>
            %add3A_239 = vector.broadcast %add3A_235 : i32 to vector<16xi32>
            %add3A_240 = arith.addi %add3A_239, %mul3A_238 : vector<16xi32>
            tpu.vector_store_idx %arg7[%add3A_240], %broadcast_in_dim3A_3 masked %eq3A_2 {add = true} : memref<85000xf32, #tpu.memory_space<vmem>>[vector<16xi32>], vector<16xf32>, vector<16xi1>
          } else {
          }
          %slice3A_143 = vector.extract_strided_slice %get3A_51 {offsets = [9], sizes = [1], strides = [1]} : vector<16xi32> to vector<1xi32>
          %squeeze3A_144 = vector.extract %slice3A_143[0] : i32 from vector<1xi32>
          %sub3A_145 = arith.subi %squeeze3A_144, %mul3A_11 : i32
          %ge3A_146 = arith.constant 0 : i32
          %ge3A_147 = arith.cmpi sge, %sub3A_145, %ge3A_146 : i32
          %lt3A_148 = arith.constant 5000 : i32
          %lt3A_149 = arith.cmpi slt, %sub3A_145, %lt3A_148 : i32
          %and3A_150 = arith.andi %ge3A_147, %lt3A_149 : i1
          %convert_element_type3A_151 = arith.extui %and3A_150 : i1 to i32
          %cond3A_152 = arith.constant 0 : i32
          %cond3A_153 = arith.cmpi ne, %convert_element_type3A_151, %cond3A_152 : i32
          scf.if %cond3A_153 {
            %mul3A_220 = arith.constant 16 : i32
            %mul3A_221 = arith.muli %scan3A_48, %mul3A_220 : i32
            %add3A_222 = arith.constant 9 : i32
            %add3A_223 = arith.addi %mul3A_221, %add3A_222 : i32
            %mul3A_224 = arith.constant 16 : i32
            %mul3A_225 = arith.muli %add3A_223, %mul3A_224 : i32
            %get3A_226 = arith.index_cast %mul3A_225 : i32 to index
            %get3A_227 = tpu.vector_load %arg6[%get3A_226] {strides = array<i32>} : memref<6400xf32, #tpu.memory_space<vmem>>, vector<16xf32>,
            %mul3A_228 = arith.constant 17 : i32
            %mul3A_229 = arith.muli %sub3A_145, %mul3A_228 : i32
            %add3A_230 = vector.broadcast %mul3A_229 : i32 to vector<16xi32>
            %add3A_231 = arith.addi %add3A_230, %iota3A : vector<16xi32>
            tpu.vector_store_idx %arg7[%add3A_231], %get3A_227 {add = true} : memref<85000xf32, #tpu.memory_space<vmem>>[vector<16xi32>], vector<16xf32>,
            %mul3A_232 = arith.constant 17 : i32
            %mul3A_233 = arith.muli %sub3A_145, %mul3A_232 : i32
            %add3A_234 = arith.constant 16 : i32
            %add3A_235 = arith.addi %mul3A_233, %add3A_234 : i32
            %mul3A_236 = arith.constant 0 : i32
            %mul3A_237 = vector.broadcast %mul3A_236 : i32 to vector<16xi32>
            %mul3A_238 = arith.muli %iota3A, %mul3A_237 : vector<16xi32>
            %add3A_239 = vector.broadcast %add3A_235 : i32 to vector<16xi32>
            %add3A_240 = arith.addi %add3A_239, %mul3A_238 : vector<16xi32>
            tpu.vector_store_idx %arg7[%add3A_240], %broadcast_in_dim3A_3 masked %eq3A_2 {add = true} : memref<85000xf32, #tpu.memory_space<vmem>>[vector<16xi32>], vector<16xf32>, vector<16xi1>
          } else {
          }
          %slice3A_154 = vector.extract_strided_slice %get3A_51 {offsets = [10], sizes = [1], strides = [1]} : vector<16xi32> to vector<1xi32>
          %squeeze3A_155 = vector.extract %slice3A_154[0] : i32 from vector<1xi32>
          %sub3A_156 = arith.subi %squeeze3A_155, %mul3A_11 : i32
          %ge3A_157 = arith.constant 0 : i32
          %ge3A_158 = arith.cmpi sge, %sub3A_156, %ge3A_157 : i32
          %lt3A_159 = arith.constant 5000 : i32
          %lt3A_160 = arith.cmpi slt, %sub3A_156, %lt3A_159 : i32
          %and3A_161 = arith.andi %ge3A_158, %lt3A_160 : i1
          %convert_element_type3A_162 = arith.extui %and3A_161 : i1 to i32
          %cond3A_163 = arith.constant 0 : i32
          %cond3A_164 = arith.cmpi ne, %convert_element_type3A_162, %cond3A_163 : i32
          scf.if %cond3A_164 {
            %mul3A_220 = arith.constant 16 : i32
            %mul3A_221 = arith.muli %scan3A_48, %mul3A_220 : i32
            %add3A_222 = arith.constant 10 : i32
            %add3A_223 = arith.addi %mul3A_221, %add3A_222 : i32
            %mul3A_224 = arith.constant 16 : i32
            %mul3A_225 = arith.muli %add3A_223, %mul3A_224 : i32
            %get3A_226 = arith.index_cast %mul3A_225 : i32 to index
            %get3A_227 = tpu.vector_load %arg6[%get3A_226] {strides = array<i32>} : memref<6400xf32, #tpu.memory_space<vmem>>, vector<16xf32>,
            %mul3A_228 = arith.constant 17 : i32
            %mul3A_229 = arith.muli %sub3A_156, %mul3A_228 : i32
            %add3A_230 = vector.broadcast %mul3A_229 : i32 to vector<16xi32>
            %add3A_231 = arith.addi %add3A_230, %iota3A : vector<16xi32>
            tpu.vector_store_idx %arg7[%add3A_231], %get3A_227 {add = true} : memref<85000xf32, #tpu.memory_space<vmem>>[vector<16xi32>], vector<16xf32>,
            %mul3A_232 = arith.constant 17 : i32
            %mul3A_233 = arith.muli %sub3A_156, %mul3A_232 : i32
            %add3A_234 = arith.constant 16 : i32
            %add3A_235 = arith.addi %mul3A_233, %add3A_234 : i32
            %mul3A_236 = arith.constant 0 : i32
            %mul3A_237 = vector.broadcast %mul3A_236 : i32 to vector<16xi32>
            %mul3A_238 = arith.muli %iota3A, %mul3A_237 : vector<16xi32>
            %add3A_239 = vector.broadcast %add3A_235 : i32 to vector<16xi32>
            %add3A_240 = arith.addi %add3A_239, %mul3A_238 : vector<16xi32>
            tpu.vector_store_idx %arg7[%add3A_240], %broadcast_in_dim3A_3 masked %eq3A_2 {add = true} : memref<85000xf32, #tpu.memory_space<vmem>>[vector<16xi32>], vector<16xf32>, vector<16xi1>
          } else {
          }
          %slice3A_165 = vector.extract_strided_slice %get3A_51 {offsets = [11], sizes = [1], strides = [1]} : vector<16xi32> to vector<1xi32>
          %squeeze3A_166 = vector.extract %slice3A_165[0] : i32 from vector<1xi32>
          %sub3A_167 = arith.subi %squeeze3A_166, %mul3A_11 : i32
          %ge3A_168 = arith.constant 0 : i32
          %ge3A_169 = arith.cmpi sge, %sub3A_167, %ge3A_168 : i32
          %lt3A_170 = arith.constant 5000 : i32
          %lt3A_171 = arith.cmpi slt, %sub3A_167, %lt3A_170 : i32
          %and3A_172 = arith.andi %ge3A_169, %lt3A_171 : i1
          %convert_element_type3A_173 = arith.extui %and3A_172 : i1 to i32
          %cond3A_174 = arith.constant 0 : i32
          %cond3A_175 = arith.cmpi ne, %convert_element_type3A_173, %cond3A_174 : i32
          scf.if %cond3A_175 {
            %mul3A_220 = arith.constant 16 : i32
            %mul3A_221 = arith.muli %scan3A_48, %mul3A_220 : i32
            %add3A_222 = arith.constant 11 : i32
            %add3A_223 = arith.addi %mul3A_221, %add3A_222 : i32
            %mul3A_224 = arith.constant 16 : i32
            %mul3A_225 = arith.muli %add3A_223, %mul3A_224 : i32
            %get3A_226 = arith.index_cast %mul3A_225 : i32 to index
            %get3A_227 = tpu.vector_load %arg6[%get3A_226] {strides = array<i32>} : memref<6400xf32, #tpu.memory_space<vmem>>, vector<16xf32>,
            %mul3A_228 = arith.constant 17 : i32
            %mul3A_229 = arith.muli %sub3A_167, %mul3A_228 : i32
            %add3A_230 = vector.broadcast %mul3A_229 : i32 to vector<16xi32>
            %add3A_231 = arith.addi %add3A_230, %iota3A : vector<16xi32>
            tpu.vector_store_idx %arg7[%add3A_231], %get3A_227 {add = true} : memref<85000xf32, #tpu.memory_space<vmem>>[vector<16xi32>], vector<16xf32>,
            %mul3A_232 = arith.constant 17 : i32
            %mul3A_233 = arith.muli %sub3A_167, %mul3A_232 : i32
            %add3A_234 = arith.constant 16 : i32
            %add3A_235 = arith.addi %mul3A_233, %add3A_234 : i32
            %mul3A_236 = arith.constant 0 : i32
            %mul3A_237 = vector.broadcast %mul3A_236 : i32 to vector<16xi32>
            %mul3A_238 = arith.muli %iota3A, %mul3A_237 : vector<16xi32>
            %add3A_239 = vector.broadcast %add3A_235 : i32 to vector<16xi32>
            %add3A_240 = arith.addi %add3A_239, %mul3A_238 : vector<16xi32>
            tpu.vector_store_idx %arg7[%add3A_240], %broadcast_in_dim3A_3 masked %eq3A_2 {add = true} : memref<85000xf32, #tpu.memory_space<vmem>>[vector<16xi32>], vector<16xf32>, vector<16xi1>
          } else {
          }
          %slice3A_176 = vector.extract_strided_slice %get3A_51 {offsets = [12], sizes = [1], strides = [1]} : vector<16xi32> to vector<1xi32>
          %squeeze3A_177 = vector.extract %slice3A_176[0] : i32 from vector<1xi32>
          %sub3A_178 = arith.subi %squeeze3A_177, %mul3A_11 : i32
          %ge3A_179 = arith.constant 0 : i32
          %ge3A_180 = arith.cmpi sge, %sub3A_178, %ge3A_179 : i32
          %lt3A_181 = arith.constant 5000 : i32
          %lt3A_182 = arith.cmpi slt, %sub3A_178, %lt3A_181 : i32
          %and3A_183 = arith.andi %ge3A_180, %lt3A_182 : i1
          %convert_element_type3A_184 = arith.extui %and3A_183 : i1 to i32
          %cond3A_185 = arith.constant 0 : i32
          %cond3A_186 = arith.cmpi ne, %convert_element_type3A_184, %cond3A_185 : i32
          scf.if %cond3A_186 {
            %mul3A_220 = arith.constant 16 : i32
            %mul3A_221 = arith.muli %scan3A_48, %mul3A_220 : i32
            %add3A_222 = arith.constant 12 : i32
            %add3A_223 = arith.addi %mul3A_221, %add3A_222 : i32
            %mul3A_224 = arith.constant 16 : i32
            %mul3A_225 = arith.muli %add3A_223, %mul3A_224 : i32
            %get3A_226 = arith.index_cast %mul3A_225 : i32 to index
            %get3A_227 = tpu.vector_load %arg6[%get3A_226] {strides = array<i32>} : memref<6400xf32, #tpu.memory_space<vmem>>, vector<16xf32>,
            %mul3A_228 = arith.constant 17 : i32
            %mul3A_229 = arith.muli %sub3A_178, %mul3A_228 : i32
            %add3A_230 = vector.broadcast %mul3A_229 : i32 to vector<16xi32>
            %add3A_231 = arith.addi %add3A_230, %iota3A : vector<16xi32>
            tpu.vector_store_idx %arg7[%add3A_231], %get3A_227 {add = true} : memref<85000xf32, #tpu.memory_space<vmem>>[vector<16xi32>], vector<16xf32>,
            %mul3A_232 = arith.constant 17 : i32
            %mul3A_233 = arith.muli %sub3A_178, %mul3A_232 : i32
            %add3A_234 = arith.constant 16 : i32
            %add3A_235 = arith.addi %mul3A_233, %add3A_234 : i32
            %mul3A_236 = arith.constant 0 : i32
            %mul3A_237 = vector.broadcast %mul3A_236 : i32 to vector<16xi32>
            %mul3A_238 = arith.muli %iota3A, %mul3A_237 : vector<16xi32>
            %add3A_239 = vector.broadcast %add3A_235 : i32 to vector<16xi32>
            %add3A_240 = arith.addi %add3A_239, %mul3A_238 : vector<16xi32>
            tpu.vector_store_idx %arg7[%add3A_240], %broadcast_in_dim3A_3 masked %eq3A_2 {add = true} : memref<85000xf32, #tpu.memory_space<vmem>>[vector<16xi32>], vector<16xf32>, vector<16xi1>
          } else {
          }
          %slice3A_187 = vector.extract_strided_slice %get3A_51 {offsets = [13], sizes = [1], strides = [1]} : vector<16xi32> to vector<1xi32>
          %squeeze3A_188 = vector.extract %slice3A_187[0] : i32 from vector<1xi32>
          %sub3A_189 = arith.subi %squeeze3A_188, %mul3A_11 : i32
          %ge3A_190 = arith.constant 0 : i32
          %ge3A_191 = arith.cmpi sge, %sub3A_189, %ge3A_190 : i32
          %lt3A_192 = arith.constant 5000 : i32
          %lt3A_193 = arith.cmpi slt, %sub3A_189, %lt3A_192 : i32
          %and3A_194 = arith.andi %ge3A_191, %lt3A_193 : i1
          %convert_element_type3A_195 = arith.extui %and3A_194 : i1 to i32
          %cond3A_196 = arith.constant 0 : i32
          %cond3A_197 = arith.cmpi ne, %convert_element_type3A_195, %cond3A_196 : i32
          scf.if %cond3A_197 {
            %mul3A_220 = arith.constant 16 : i32
            %mul3A_221 = arith.muli %scan3A_48, %mul3A_220 : i32
            %add3A_222 = arith.constant 13 : i32
            %add3A_223 = arith.addi %mul3A_221, %add3A_222 : i32
            %mul3A_224 = arith.constant 16 : i32
            %mul3A_225 = arith.muli %add3A_223, %mul3A_224 : i32
            %get3A_226 = arith.index_cast %mul3A_225 : i32 to index
            %get3A_227 = tpu.vector_load %arg6[%get3A_226] {strides = array<i32>} : memref<6400xf32, #tpu.memory_space<vmem>>, vector<16xf32>,
            %mul3A_228 = arith.constant 17 : i32
            %mul3A_229 = arith.muli %sub3A_189, %mul3A_228 : i32
            %add3A_230 = vector.broadcast %mul3A_229 : i32 to vector<16xi32>
            %add3A_231 = arith.addi %add3A_230, %iota3A : vector<16xi32>
            tpu.vector_store_idx %arg7[%add3A_231], %get3A_227 {add = true} : memref<85000xf32, #tpu.memory_space<vmem>>[vector<16xi32>], vector<16xf32>,
            %mul3A_232 = arith.constant 17 : i32
            %mul3A_233 = arith.muli %sub3A_189, %mul3A_232 : i32
            %add3A_234 = arith.constant 16 : i32
            %add3A_235 = arith.addi %mul3A_233, %add3A_234 : i32
            %mul3A_236 = arith.constant 0 : i32
            %mul3A_237 = vector.broadcast %mul3A_236 : i32 to vector<16xi32>
            %mul3A_238 = arith.muli %iota3A, %mul3A_237 : vector<16xi32>
            %add3A_239 = vector.broadcast %add3A_235 : i32 to vector<16xi32>
            %add3A_240 = arith.addi %add3A_239, %mul3A_238 : vector<16xi32>
            tpu.vector_store_idx %arg7[%add3A_240], %broadcast_in_dim3A_3 masked %eq3A_2 {add = true} : memref<85000xf32, #tpu.memory_space<vmem>>[vector<16xi32>], vector<16xf32>, vector<16xi1>
          } else {
          }
          %slice3A_198 = vector.extract_strided_slice %get3A_51 {offsets = [14], sizes = [1], strides = [1]} : vector<16xi32> to vector<1xi32>
          %squeeze3A_199 = vector.extract %slice3A_198[0] : i32 from vector<1xi32>
          %sub3A_200 = arith.subi %squeeze3A_199, %mul3A_11 : i32
          %ge3A_201 = arith.constant 0 : i32
          %ge3A_202 = arith.cmpi sge, %sub3A_200, %ge3A_201 : i32
          %lt3A_203 = arith.constant 5000 : i32
          %lt3A_204 = arith.cmpi slt, %sub3A_200, %lt3A_203 : i32
          %and3A_205 = arith.andi %ge3A_202, %lt3A_204 : i1
          %convert_element_type3A_206 = arith.extui %and3A_205 : i1 to i32
          %cond3A_207 = arith.constant 0 : i32
          %cond3A_208 = arith.cmpi ne, %convert_element_type3A_206, %cond3A_207 : i32
          scf.if %cond3A_208 {
            %mul3A_220 = arith.constant 16 : i32
            %mul3A_221 = arith.muli %scan3A_48, %mul3A_220 : i32
            %add3A_222 = arith.constant 14 : i32
            %add3A_223 = arith.addi %mul3A_221, %add3A_222 : i32
            %mul3A_224 = arith.constant 16 : i32
            %mul3A_225 = arith.muli %add3A_223, %mul3A_224 : i32
            %get3A_226 = arith.index_cast %mul3A_225 : i32 to index
            %get3A_227 = tpu.vector_load %arg6[%get3A_226] {strides = array<i32>} : memref<6400xf32, #tpu.memory_space<vmem>>, vector<16xf32>,
            %mul3A_228 = arith.constant 17 : i32
            %mul3A_229 = arith.muli %sub3A_200, %mul3A_228 : i32
            %add3A_230 = vector.broadcast %mul3A_229 : i32 to vector<16xi32>
            %add3A_231 = arith.addi %add3A_230, %iota3A : vector<16xi32>
            tpu.vector_store_idx %arg7[%add3A_231], %get3A_227 {add = true} : memref<85000xf32, #tpu.memory_space<vmem>>[vector<16xi32>], vector<16xf32>,
            %mul3A_232 = arith.constant 17 : i32
            %mul3A_233 = arith.muli %sub3A_200, %mul3A_232 : i32
            %add3A_234 = arith.constant 16 : i32
            %add3A_235 = arith.addi %mul3A_233, %add3A_234 : i32
            %mul3A_236 = arith.constant 0 : i32
            %mul3A_237 = vector.broadcast %mul3A_236 : i32 to vector<16xi32>
            %mul3A_238 = arith.muli %iota3A, %mul3A_237 : vector<16xi32>
            %add3A_239 = vector.broadcast %add3A_235 : i32 to vector<16xi32>
            %add3A_240 = arith.addi %add3A_239, %mul3A_238 : vector<16xi32>
            tpu.vector_store_idx %arg7[%add3A_240], %broadcast_in_dim3A_3 masked %eq3A_2 {add = true} : memref<85000xf32, #tpu.memory_space<vmem>>[vector<16xi32>], vector<16xf32>, vector<16xi1>
          } else {
          }
          %slice3A_209 = vector.extract_strided_slice %get3A_51 {offsets = [15], sizes = [1], strides = [1]} : vector<16xi32> to vector<1xi32>
          %squeeze3A_210 = vector.extract %slice3A_209[0] : i32 from vector<1xi32>
          %sub3A_211 = arith.subi %squeeze3A_210, %mul3A_11 : i32
          %ge3A_212 = arith.constant 0 : i32
          %ge3A_213 = arith.cmpi sge, %sub3A_211, %ge3A_212 : i32
          %lt3A_214 = arith.constant 5000 : i32
          %lt3A_215 = arith.cmpi slt, %sub3A_211, %lt3A_214 : i32
          %and3A_216 = arith.andi %ge3A_213, %lt3A_215 : i1
          %convert_element_type3A_217 = arith.extui %and3A_216 : i1 to i32
          %cond3A_218 = arith.constant 0 : i32
          %cond3A_219 = arith.cmpi ne, %convert_element_type3A_217, %cond3A_218 : i32
          scf.if %cond3A_219 {
            %mul3A_220 = arith.constant 16 : i32
            %mul3A_221 = arith.muli %scan3A_48, %mul3A_220 : i32
            %add3A_222 = arith.constant 15 : i32
            %add3A_223 = arith.addi %mul3A_221, %add3A_222 : i32
            %mul3A_224 = arith.constant 16 : i32
            %mul3A_225 = arith.muli %add3A_223, %mul3A_224 : i32
            %get3A_226 = arith.index_cast %mul3A_225 : i32 to index
            %get3A_227 = tpu.vector_load %arg6[%get3A_226] {strides = array<i32>} : memref<6400xf32, #tpu.memory_space<vmem>>, vector<16xf32>,
            %mul3A_228 = arith.constant 17 : i32
            %mul3A_229 = arith.muli %sub3A_211, %mul3A_228 : i32
            %add3A_230 = vector.broadcast %mul3A_229 : i32 to vector<16xi32>
            %add3A_231 = arith.addi %add3A_230, %iota3A : vector<16xi32>
            tpu.vector_store_idx %arg7[%add3A_231], %get3A_227 {add = true} : memref<85000xf32, #tpu.memory_space<vmem>>[vector<16xi32>], vector<16xf32>,
            %mul3A_232 = arith.constant 17 : i32
            %mul3A_233 = arith.muli %sub3A_211, %mul3A_232 : i32
            %add3A_234 = arith.constant 16 : i32
            %add3A_235 = arith.addi %mul3A_233, %add3A_234 : i32
            %mul3A_236 = arith.constant 0 : i32
            %mul3A_237 = vector.broadcast %mul3A_236 : i32 to vector<16xi32>
            %mul3A_238 = arith.muli %iota3A, %mul3A_237 : vector<16xi32>
            %add3A_239 = vector.broadcast %add3A_235 : i32 to vector<16xi32>
            %add3A_240 = arith.addi %add3A_239, %mul3A_238 : vector<16xi32>
            tpu.vector_store_idx %arg7[%add3A_240], %broadcast_in_dim3A_3 masked %eq3A_2 {add = true} : memref<85000xf32, #tpu.memory_space<vmem>>[vector<16xi32>], vector<16xf32>, vector<16xi1>
          } else {
          }
        }
        %scan3A_47 = arith.constant 25 : i32
      }
      %scan3A_26 = arith.constant 25 : i32
      %mul3A_27 = arith.constant 2 : i32
      %mul3A_28 = arith.muli %add3A, %mul3A_27 : i32
      %mul3A_29 = arith.constant 85000 : i32
      %mul3A_30 = arith.muli %mul3A_28, %mul3A_29 : i32
      %mul3A_31 = arith.constant 85000 : i32
      %mul3A_32 = arith.muli %scan3A_9, %mul3A_31 : i32
      %add3A_33 = arith.addi %mul3A_30, %mul3A_32 : i32
      "tpu.region"() ({
        %run_scoped3A = tpu.sem_alloc : memref<!tpu.dma_semaphore, #tpu.memory_space<semaphore_mem>>
        %dma_start3A = tpu.memref_slice %arg4[%add3A_33] : memref<5440000xf32, #tpu.memory_space<hbm>> -> memref<85000xf32, #tpu.memory_space<hbm>>
        %dma_start3A_34 = tpu.memref_slice %arg4[%add3A_33] : memref<5440000xf32, #tpu.memory_space<hbm>> -> memref<85000xf32, #tpu.memory_space<hbm>>
        tpu.enqueue_dma source(%arg7 : memref<85000xf32, #tpu.memory_space<vmem>>) target(%dma_start3A_34 : memref<85000xf32, #tpu.memory_space<hbm>>) target_semaphore(%run_scoped3A : memref<!tpu.dma_semaphore, #tpu.memory_space<semaphore_mem>>)
        %dma_wait3A = tpu.memref_slice %arg4[%add3A_33] : memref<5440000xf32, #tpu.memory_space<hbm>> -> memref<85000xf32, #tpu.memory_space<hbm>>
        %dma_wait3A_35 = tpu.memref_slice %arg4[%add3A_33] : memref<5440000xf32, #tpu.memory_space<hbm>> -> memref<85000xf32, #tpu.memory_space<hbm>>
        tpu.wait_dma2 semaphore(%run_scoped3A : memref<!tpu.dma_semaphore, #tpu.memory_space<semaphore_mem>>) src(%arg7 : memref<85000xf32, #tpu.memory_space<vmem>>) dst(%dma_wait3A_35 : memref<85000xf32, #tpu.memory_space<hbm>>)
        tpu.yield
      }) : () -> ()
    }
    %scan3A_8 = arith.constant 2 : i32
    return
  }
}

#map = affine_map<(d0, d1) -> (0, 0)>
#map1 = affine_map<(d0, d1) -> (0)>
module attributes {stable_mosaic.version = 14 : i64} {
  func.func @_gather_body(%arg0: i32, %arg1: i32, %arg2: memref<10000x128xf32, #tpu.memory_space<hbm>>, %arg3: memref<320000xi32, #tpu.memory_space<hbm>>, %arg4: memref<320000x16xf32, #tpu.memory_space<hbm>>, %arg5: memref<400xi32, #tpu.memory_space<vmem>>, %arg6: memref<400x128xf32, #tpu.memory_space<vmem>>, %arg7: memref<400x16xf32, #tpu.memory_space<vmem>>, %arg8: memref<!tpu.dma_semaphore, #tpu.memory_space<semaphore_mem>>) attributes {dimension_semantics = [#tpu.dimension_semantics<core_parallel>, #tpu.dimension_semantics<subcore_parallel>], iteration_bounds = array<i64: 2, 16>, scalar_prefetch = 0 : i64, scratch_operands = 4 : i64, tpu.core_type = #tpu.core_type<sc_vector_subcore>, window_params = [{transform_indices = #map}, {transform_indices = #map1}, {transform_indices = #map}]} {
    %mul3A = arith.constant 2 : i32
    %mul3A_0 = arith.muli %arg1, %mul3A : i32
    %add3A = arith.addi %mul3A_0, %arg0 : i32
    %scan3A = arith.constant 0 : i32
    %scan3A_1 = arith.constant 0 : i32
    %scan3A_2 = arith.constant 25 : i32
    %scan3A_3 = arith.addi %scan3A_1, %scan3A_2 : i32
    %scan3A_4 = arith.constant 1 : i32
    scf.for %scan3A_6 = %scan3A_1 to %scan3A_3 step %scan3A_4  : i32 {
      %mul3A_7 = arith.constant 10000 : i32
      %mul3A_8 = arith.muli %add3A, %mul3A_7 : i32
      %mul3A_9 = arith.constant 400 : i32
      %mul3A_10 = arith.muli %scan3A_6, %mul3A_9 : i32
      %add3A_11 = arith.addi %mul3A_8, %mul3A_10 : i32
      "tpu.region"() ({
        %run_scoped3A = tpu.sem_alloc : memref<!tpu.dma_semaphore, #tpu.memory_space<semaphore_mem>>
        %dma_start3A_96 = tpu.memref_slice %arg3[%add3A_11] : memref<320000xi32, #tpu.memory_space<hbm>> -> memref<400xi32, #tpu.memory_space<hbm>>
        %dma_start3A_97 = tpu.memref_slice %arg3[%add3A_11] : memref<320000xi32, #tpu.memory_space<hbm>> -> memref<400xi32, #tpu.memory_space<hbm>>
        tpu.enqueue_dma source(%dma_start3A_97 : memref<400xi32, #tpu.memory_space<hbm>>) target(%arg5 : memref<400xi32, #tpu.memory_space<vmem>>) target_semaphore(%run_scoped3A : memref<!tpu.dma_semaphore, #tpu.memory_space<semaphore_mem>>)
        %dma_wait3A_98 = tpu.memref_slice %arg3[%add3A_11] : memref<320000xi32, #tpu.memory_space<hbm>> -> memref<400xi32, #tpu.memory_space<hbm>>
        %dma_wait3A_99 = tpu.memref_slice %arg3[%add3A_11] : memref<320000xi32, #tpu.memory_space<hbm>> -> memref<400xi32, #tpu.memory_space<hbm>>
        tpu.wait_dma2 semaphore(%run_scoped3A : memref<!tpu.dma_semaphore, #tpu.memory_space<semaphore_mem>>) src(%dma_wait3A_99 : memref<400xi32, #tpu.memory_space<hbm>>) dst(%arg5 : memref<400xi32, #tpu.memory_space<vmem>>)
        tpu.yield
      }) : () -> ()
      %dma_start3A = arith.constant 0 : i32
      %dma_start3A_12 = arith.constant 0 : i32
      %dma_start3A_13 = tpu.memref_slice %arg6[%dma_start3A, %dma_start3A_12] : memref<400x128xf32, #tpu.memory_space<vmem>> -> memref<80x128xf32, #tpu.memory_space<vmem>>
      %dma_start3A_14 = arith.constant 0 : i32
      %dma_start3A_15 = tpu.memref_slice %arg5[%dma_start3A_14] : memref<400xi32, #tpu.memory_space<vmem>> -> memref<80xi32, #tpu.memory_space<vmem>>
      %dma_start3A_16 = arith.constant 0 : i32
      %dma_start3A_17 = arith.constant 0 : i32
      %dma_start3A_18 = tpu.memref_slice %arg2[%dma_start3A_16, %dma_start3A_17] : memref<10000x128xf32, #tpu.memory_space<hbm>> -> memref<10000x128xf32, #tpu.memory_space<hbm>>
      tpu.enqueue_indirect_dma source(%dma_start3A_18 : memref<10000x128xf32, #tpu.memory_space<hbm>>) target(%dma_start3A_13 : memref<80x128xf32, #tpu.memory_space<vmem>>) offsets(%dma_start3A_15 : memref<80xi32, #tpu.memory_space<vmem>>) semaphore(%arg8 : memref<!tpu.dma_semaphore, #tpu.memory_space<semaphore_mem>>)
      %dma_start3A_19 = arith.constant 80 : i32
      %dma_start3A_20 = arith.constant 0 : i32
      %dma_start3A_21 = tpu.memref_slice %arg6[%dma_start3A_19, %dma_start3A_20] : memref<400x128xf32, #tpu.memory_space<vmem>> -> memref<80x128xf32, #tpu.memory_space<vmem>>
      %dma_start3A_22 = arith.constant 80 : i32
      %dma_start3A_23 = tpu.memref_slice %arg5[%dma_start3A_22] : memref<400xi32, #tpu.memory_space<vmem>> -> memref<80xi32, #tpu.memory_space<vmem>>
      %dma_start3A_24 = arith.constant 0 : i32
      %dma_start3A_25 = arith.constant 0 : i32
      %dma_start3A_26 = tpu.memref_slice %arg2[%dma_start3A_24, %dma_start3A_25] : memref<10000x128xf32, #tpu.memory_space<hbm>> -> memref<10000x128xf32, #tpu.memory_space<hbm>>
      tpu.enqueue_indirect_dma source(%dma_start3A_26 : memref<10000x128xf32, #tpu.memory_space<hbm>>) target(%dma_start3A_21 : memref<80x128xf32, #tpu.memory_space<vmem>>) offsets(%dma_start3A_23 : memref<80xi32, #tpu.memory_space<vmem>>) semaphore(%arg8 : memref<!tpu.dma_semaphore, #tpu.memory_space<semaphore_mem>>)
      %dma_start3A_27 = arith.constant 160 : i32
      %dma_start3A_28 = arith.constant 0 : i32
      %dma_start3A_29 = tpu.memref_slice %arg6[%dma_start3A_27, %dma_start3A_28] : memref<400x128xf32, #tpu.memory_space<vmem>> -> memref<80x128xf32, #tpu.memory_space<vmem>>
      %dma_start3A_30 = arith.constant 160 : i32
      %dma_start3A_31 = tpu.memref_slice %arg5[%dma_start3A_30] : memref<400xi32, #tpu.memory_space<vmem>> -> memref<80xi32, #tpu.memory_space<vmem>>
      %dma_start3A_32 = arith.constant 0 : i32
      %dma_start3A_33 = arith.constant 0 : i32
      %dma_start3A_34 = tpu.memref_slice %arg2[%dma_start3A_32, %dma_start3A_33] : memref<10000x128xf32, #tpu.memory_space<hbm>> -> memref<10000x128xf32, #tpu.memory_space<hbm>>
      tpu.enqueue_indirect_dma source(%dma_start3A_34 : memref<10000x128xf32, #tpu.memory_space<hbm>>) target(%dma_start3A_29 : memref<80x128xf32, #tpu.memory_space<vmem>>) offsets(%dma_start3A_31 : memref<80xi32, #tpu.memory_space<vmem>>) semaphore(%arg8 : memref<!tpu.dma_semaphore, #tpu.memory_space<semaphore_mem>>)
      %dma_start3A_35 = arith.constant 240 : i32
      %dma_start3A_36 = arith.constant 0 : i32
      %dma_start3A_37 = tpu.memref_slice %arg6[%dma_start3A_35, %dma_start3A_36] : memref<400x128xf32, #tpu.memory_space<vmem>> -> memref<80x128xf32, #tpu.memory_space<vmem>>
      %dma_start3A_38 = arith.constant 240 : i32
      %dma_start3A_39 = tpu.memref_slice %arg5[%dma_start3A_38] : memref<400xi32, #tpu.memory_space<vmem>> -> memref<80xi32, #tpu.memory_space<vmem>>
      %dma_start3A_40 = arith.constant 0 : i32
      %dma_start3A_41 = arith.constant 0 : i32
      %dma_start3A_42 = tpu.memref_slice %arg2[%dma_start3A_40, %dma_start3A_41] : memref<10000x128xf32, #tpu.memory_space<hbm>> -> memref<10000x128xf32, #tpu.memory_space<hbm>>
      tpu.enqueue_indirect_dma source(%dma_start3A_42 : memref<10000x128xf32, #tpu.memory_space<hbm>>) target(%dma_start3A_37 : memref<80x128xf32, #tpu.memory_space<vmem>>) offsets(%dma_start3A_39 : memref<80xi32, #tpu.memory_space<vmem>>) semaphore(%arg8 : memref<!tpu.dma_semaphore, #tpu.memory_space<semaphore_mem>>)
      %dma_start3A_43 = arith.constant 320 : i32
      %dma_start3A_44 = arith.constant 0 : i32
      %dma_start3A_45 = tpu.memref_slice %arg6[%dma_start3A_43, %dma_start3A_44] : memref<400x128xf32, #tpu.memory_space<vmem>> -> memref<80x128xf32, #tpu.memory_space<vmem>>
      %dma_start3A_46 = arith.constant 320 : i32
      %dma_start3A_47 = tpu.memref_slice %arg5[%dma_start3A_46] : memref<400xi32, #tpu.memory_space<vmem>> -> memref<80xi32, #tpu.memory_space<vmem>>
      %dma_start3A_48 = arith.constant 0 : i32
      %dma_start3A_49 = arith.constant 0 : i32
      %dma_start3A_50 = tpu.memref_slice %arg2[%dma_start3A_48, %dma_start3A_49] : memref<10000x128xf32, #tpu.memory_space<hbm>> -> memref<10000x128xf32, #tpu.memory_space<hbm>>
      tpu.enqueue_indirect_dma source(%dma_start3A_50 : memref<10000x128xf32, #tpu.memory_space<hbm>>) target(%dma_start3A_45 : memref<80x128xf32, #tpu.memory_space<vmem>>) offsets(%dma_start3A_47 : memref<80xi32, #tpu.memory_space<vmem>>) semaphore(%arg8 : memref<!tpu.dma_semaphore, #tpu.memory_space<semaphore_mem>>)
      %dma_wait3A = arith.constant 0 : i32
      %dma_wait3A_51 = arith.constant 0 : i32
      %dma_wait3A_52 = tpu.memref_slice %arg6[%dma_wait3A, %dma_wait3A_51] : memref<400x128xf32, #tpu.memory_space<vmem>> -> memref<80x128xf32, #tpu.memory_space<vmem>>
      %dma_wait3A_53 = arith.constant 0 : i32
      %dma_wait3A_54 = tpu.memref_slice %arg5[%dma_wait3A_53] : memref<400xi32, #tpu.memory_space<vmem>> -> memref<80xi32, #tpu.memory_space<vmem>>
      %dma_wait3A_55 = arith.constant 0 : i32
      %dma_wait3A_56 = arith.constant 0 : i32
      %dma_wait3A_57 = tpu.memref_slice %arg2[%dma_wait3A_55, %dma_wait3A_56] : memref<10000x128xf32, #tpu.memory_space<hbm>> -> memref<10000x128xf32, #tpu.memory_space<hbm>>
      tpu.wait_indirect_dma semaphore(%arg8 : memref<!tpu.dma_semaphore, #tpu.memory_space<semaphore_mem>>) src(%dma_wait3A_57 : memref<10000x128xf32, #tpu.memory_space<hbm>>) dst(%dma_wait3A_52 : memref<80x128xf32, #tpu.memory_space<vmem>>)
      %dma_wait3A_58 = arith.constant 80 : i32
      %dma_wait3A_59 = arith.constant 0 : i32
      %dma_wait3A_60 = tpu.memref_slice %arg6[%dma_wait3A_58, %dma_wait3A_59] : memref<400x128xf32, #tpu.memory_space<vmem>> -> memref<80x128xf32, #tpu.memory_space<vmem>>
      %dma_wait3A_61 = arith.constant 80 : i32
      %dma_wait3A_62 = tpu.memref_slice %arg5[%dma_wait3A_61] : memref<400xi32, #tpu.memory_space<vmem>> -> memref<80xi32, #tpu.memory_space<vmem>>
      %dma_wait3A_63 = arith.constant 0 : i32
      %dma_wait3A_64 = arith.constant 0 : i32
      %dma_wait3A_65 = tpu.memref_slice %arg2[%dma_wait3A_63, %dma_wait3A_64] : memref<10000x128xf32, #tpu.memory_space<hbm>> -> memref<10000x128xf32, #tpu.memory_space<hbm>>
      tpu.wait_indirect_dma semaphore(%arg8 : memref<!tpu.dma_semaphore, #tpu.memory_space<semaphore_mem>>) src(%dma_wait3A_65 : memref<10000x128xf32, #tpu.memory_space<hbm>>) dst(%dma_wait3A_60 : memref<80x128xf32, #tpu.memory_space<vmem>>)
      %dma_wait3A_66 = arith.constant 160 : i32
      %dma_wait3A_67 = arith.constant 0 : i32
      %dma_wait3A_68 = tpu.memref_slice %arg6[%dma_wait3A_66, %dma_wait3A_67] : memref<400x128xf32, #tpu.memory_space<vmem>> -> memref<80x128xf32, #tpu.memory_space<vmem>>
      %dma_wait3A_69 = arith.constant 160 : i32
      %dma_wait3A_70 = tpu.memref_slice %arg5[%dma_wait3A_69] : memref<400xi32, #tpu.memory_space<vmem>> -> memref<80xi32, #tpu.memory_space<vmem>>
      %dma_wait3A_71 = arith.constant 0 : i32
      %dma_wait3A_72 = arith.constant 0 : i32
      %dma_wait3A_73 = tpu.memref_slice %arg2[%dma_wait3A_71, %dma_wait3A_72] : memref<10000x128xf32, #tpu.memory_space<hbm>> -> memref<10000x128xf32, #tpu.memory_space<hbm>>
      tpu.wait_indirect_dma semaphore(%arg8 : memref<!tpu.dma_semaphore, #tpu.memory_space<semaphore_mem>>) src(%dma_wait3A_73 : memref<10000x128xf32, #tpu.memory_space<hbm>>) dst(%dma_wait3A_68 : memref<80x128xf32, #tpu.memory_space<vmem>>)
      %dma_wait3A_74 = arith.constant 240 : i32
      %dma_wait3A_75 = arith.constant 0 : i32
      %dma_wait3A_76 = tpu.memref_slice %arg6[%dma_wait3A_74, %dma_wait3A_75] : memref<400x128xf32, #tpu.memory_space<vmem>> -> memref<80x128xf32, #tpu.memory_space<vmem>>
      %dma_wait3A_77 = arith.constant 240 : i32
      %dma_wait3A_78 = tpu.memref_slice %arg5[%dma_wait3A_77] : memref<400xi32, #tpu.memory_space<vmem>> -> memref<80xi32, #tpu.memory_space<vmem>>
      %dma_wait3A_79 = arith.constant 0 : i32
      %dma_wait3A_80 = arith.constant 0 : i32
      %dma_wait3A_81 = tpu.memref_slice %arg2[%dma_wait3A_79, %dma_wait3A_80] : memref<10000x128xf32, #tpu.memory_space<hbm>> -> memref<10000x128xf32, #tpu.memory_space<hbm>>
      tpu.wait_indirect_dma semaphore(%arg8 : memref<!tpu.dma_semaphore, #tpu.memory_space<semaphore_mem>>) src(%dma_wait3A_81 : memref<10000x128xf32, #tpu.memory_space<hbm>>) dst(%dma_wait3A_76 : memref<80x128xf32, #tpu.memory_space<vmem>>)
      %dma_wait3A_82 = arith.constant 320 : i32
      %dma_wait3A_83 = arith.constant 0 : i32
      %dma_wait3A_84 = tpu.memref_slice %arg6[%dma_wait3A_82, %dma_wait3A_83] : memref<400x128xf32, #tpu.memory_space<vmem>> -> memref<80x128xf32, #tpu.memory_space<vmem>>
      %dma_wait3A_85 = arith.constant 320 : i32
      %dma_wait3A_86 = tpu.memref_slice %arg5[%dma_wait3A_85] : memref<400xi32, #tpu.memory_space<vmem>> -> memref<80xi32, #tpu.memory_space<vmem>>
      %dma_wait3A_87 = arith.constant 0 : i32
      %dma_wait3A_88 = arith.constant 0 : i32
      %dma_wait3A_89 = tpu.memref_slice %arg2[%dma_wait3A_87, %dma_wait3A_88] : memref<10000x128xf32, #tpu.memory_space<hbm>> -> memref<10000x128xf32, #tpu.memory_space<hbm>>
      tpu.wait_indirect_dma semaphore(%arg8 : memref<!tpu.dma_semaphore, #tpu.memory_space<semaphore_mem>>) src(%dma_wait3A_89 : memref<10000x128xf32, #tpu.memory_space<hbm>>) dst(%dma_wait3A_84 : memref<80x128xf32, #tpu.memory_space<vmem>>)
      %scan3A_90 = arith.constant 0 : i32
      %scan3A_91 = arith.constant 0 : i32
      %scan3A_92 = arith.constant 50 : i32
      %scan3A_93 = arith.addi %scan3A_91, %scan3A_92 : i32
      %scan3A_94 = arith.constant 1 : i32
      scf.for %scan3A_96 = %scan3A_91 to %scan3A_93 step %scan3A_94  : i32 {
        %mul3A_97 = arith.constant 8 : i32
        %mul3A_98 = arith.muli %scan3A_96, %mul3A_97 : i32
        %add3A_99 = arith.constant 0 : i32
        %add3A_100 = arith.addi %mul3A_98, %add3A_99 : i32
        %get3A = arith.index_cast %add3A_100 : i32 to index
        %get3A_101 = arith.constant 0 : index
        %get3A_102 = tpu.vector_load %arg6[%get3A, %get3A_101] {strides = array<i32>} : memref<400x128xf32, #tpu.memory_space<vmem>>, vector<1x16xf32>,
        %get3A_103 = vector.shape_cast %get3A_102 : vector<1x16xf32> to vector<16xf32>
        %mul3A_104 = arith.constant 8 : i32
        %mul3A_105 = arith.muli %scan3A_96, %mul3A_104 : i32
        %add3A_106 = arith.constant 0 : i32
        %add3A_107 = arith.addi %mul3A_105, %add3A_106 : i32
        %swap3A = arith.index_cast %add3A_107 : i32 to index
        %swap3A_108 = arith.constant 0 : index
        %swap3A_109 = tpu.vector_load %arg7[%swap3A, %swap3A_108] {strides = array<i32>} : memref<400x16xf32, #tpu.memory_space<vmem>>, vector<1x16xf32>,
        %swap3A_110 = vector.shape_cast %swap3A_109 : vector<1x16xf32> to vector<16xf32>
        %swap3A_111 = vector.shape_cast %get3A_103 : vector<16xf32> to vector<1x16xf32>
        tpu.vector_store %arg7[%swap3A, %swap3A_108], %swap3A_111 {strides = array<i32>} : memref<400x16xf32, #tpu.memory_space<vmem>>, vector<1x16xf32>,
        %mul3A_112 = arith.constant 8 : i32
        %mul3A_113 = arith.muli %scan3A_96, %mul3A_112 : i32
        %add3A_114 = arith.constant 1 : i32
        %add3A_115 = arith.addi %mul3A_113, %add3A_114 : i32
        %get3A_116 = arith.index_cast %add3A_115 : i32 to index
        %get3A_117 = arith.constant 0 : index
        %get3A_118 = tpu.vector_load %arg6[%get3A_116, %get3A_117] {strides = array<i32>} : memref<400x128xf32, #tpu.memory_space<vmem>>, vector<1x16xf32>,
        %get3A_119 = vector.shape_cast %get3A_118 : vector<1x16xf32> to vector<16xf32>
        %mul3A_120 = arith.constant 8 : i32
        %mul3A_121 = arith.muli %scan3A_96, %mul3A_120 : i32
        %add3A_122 = arith.constant 1 : i32
        %add3A_123 = arith.addi %mul3A_121, %add3A_122 : i32
        %swap3A_124 = arith.index_cast %add3A_123 : i32 to index
        %swap3A_125 = arith.constant 0 : index
        %swap3A_126 = tpu.vector_load %arg7[%swap3A_124, %swap3A_125] {strides = array<i32>} : memref<400x16xf32, #tpu.memory_space<vmem>>, vector<1x16xf32>,
        %swap3A_127 = vector.shape_cast %swap3A_126 : vector<1x16xf32> to vector<16xf32>
        %swap3A_128 = vector.shape_cast %get3A_119 : vector<16xf32> to vector<1x16xf32>
        tpu.vector_store %arg7[%swap3A_124, %swap3A_125], %swap3A_128 {strides = array<i32>} : memref<400x16xf32, #tpu.memory_space<vmem>>, vector<1x16xf32>,
        %mul3A_129 = arith.constant 8 : i32
        %mul3A_130 = arith.muli %scan3A_96, %mul3A_129 : i32
        %add3A_131 = arith.constant 2 : i32
        %add3A_132 = arith.addi %mul3A_130, %add3A_131 : i32
        %get3A_133 = arith.index_cast %add3A_132 : i32 to index
        %get3A_134 = arith.constant 0 : index
        %get3A_135 = tpu.vector_load %arg6[%get3A_133, %get3A_134] {strides = array<i32>} : memref<400x128xf32, #tpu.memory_space<vmem>>, vector<1x16xf32>,
        %get3A_136 = vector.shape_cast %get3A_135 : vector<1x16xf32> to vector<16xf32>
        %mul3A_137 = arith.constant 8 : i32
        %mul3A_138 = arith.muli %scan3A_96, %mul3A_137 : i32
        %add3A_139 = arith.constant 2 : i32
        %add3A_140 = arith.addi %mul3A_138, %add3A_139 : i32
        %swap3A_141 = arith.index_cast %add3A_140 : i32 to index
        %swap3A_142 = arith.constant 0 : index
        %swap3A_143 = tpu.vector_load %arg7[%swap3A_141, %swap3A_142] {strides = array<i32>} : memref<400x16xf32, #tpu.memory_space<vmem>>, vector<1x16xf32>,
        %swap3A_144 = vector.shape_cast %swap3A_143 : vector<1x16xf32> to vector<16xf32>
        %swap3A_145 = vector.shape_cast %get3A_136 : vector<16xf32> to vector<1x16xf32>
        tpu.vector_store %arg7[%swap3A_141, %swap3A_142], %swap3A_145 {strides = array<i32>} : memref<400x16xf32, #tpu.memory_space<vmem>>, vector<1x16xf32>,
        %mul3A_146 = arith.constant 8 : i32
        %mul3A_147 = arith.muli %scan3A_96, %mul3A_146 : i32
        %add3A_148 = arith.constant 3 : i32
        %add3A_149 = arith.addi %mul3A_147, %add3A_148 : i32
        %get3A_150 = arith.index_cast %add3A_149 : i32 to index
        %get3A_151 = arith.constant 0 : index
        %get3A_152 = tpu.vector_load %arg6[%get3A_150, %get3A_151] {strides = array<i32>} : memref<400x128xf32, #tpu.memory_space<vmem>>, vector<1x16xf32>,
        %get3A_153 = vector.shape_cast %get3A_152 : vector<1x16xf32> to vector<16xf32>
        %mul3A_154 = arith.constant 8 : i32
        %mul3A_155 = arith.muli %scan3A_96, %mul3A_154 : i32
        %add3A_156 = arith.constant 3 : i32
        %add3A_157 = arith.addi %mul3A_155, %add3A_156 : i32
        %swap3A_158 = arith.index_cast %add3A_157 : i32 to index
        %swap3A_159 = arith.constant 0 : index
        %swap3A_160 = tpu.vector_load %arg7[%swap3A_158, %swap3A_159] {strides = array<i32>} : memref<400x16xf32, #tpu.memory_space<vmem>>, vector<1x16xf32>,
        %swap3A_161 = vector.shape_cast %swap3A_160 : vector<1x16xf32> to vector<16xf32>
        %swap3A_162 = vector.shape_cast %get3A_153 : vector<16xf32> to vector<1x16xf32>
        tpu.vector_store %arg7[%swap3A_158, %swap3A_159], %swap3A_162 {strides = array<i32>} : memref<400x16xf32, #tpu.memory_space<vmem>>, vector<1x16xf32>,
        %mul3A_163 = arith.constant 8 : i32
        %mul3A_164 = arith.muli %scan3A_96, %mul3A_163 : i32
        %add3A_165 = arith.constant 4 : i32
        %add3A_166 = arith.addi %mul3A_164, %add3A_165 : i32
        %get3A_167 = arith.index_cast %add3A_166 : i32 to index
        %get3A_168 = arith.constant 0 : index
        %get3A_169 = tpu.vector_load %arg6[%get3A_167, %get3A_168] {strides = array<i32>} : memref<400x128xf32, #tpu.memory_space<vmem>>, vector<1x16xf32>,
        %get3A_170 = vector.shape_cast %get3A_169 : vector<1x16xf32> to vector<16xf32>
        %mul3A_171 = arith.constant 8 : i32
        %mul3A_172 = arith.muli %scan3A_96, %mul3A_171 : i32
        %add3A_173 = arith.constant 4 : i32
        %add3A_174 = arith.addi %mul3A_172, %add3A_173 : i32
        %swap3A_175 = arith.index_cast %add3A_174 : i32 to index
        %swap3A_176 = arith.constant 0 : index
        %swap3A_177 = tpu.vector_load %arg7[%swap3A_175, %swap3A_176] {strides = array<i32>} : memref<400x16xf32, #tpu.memory_space<vmem>>, vector<1x16xf32>,
        %swap3A_178 = vector.shape_cast %swap3A_177 : vector<1x16xf32> to vector<16xf32>
        %swap3A_179 = vector.shape_cast %get3A_170 : vector<16xf32> to vector<1x16xf32>
        tpu.vector_store %arg7[%swap3A_175, %swap3A_176], %swap3A_179 {strides = array<i32>} : memref<400x16xf32, #tpu.memory_space<vmem>>, vector<1x16xf32>,
        %mul3A_180 = arith.constant 8 : i32
        %mul3A_181 = arith.muli %scan3A_96, %mul3A_180 : i32
        %add3A_182 = arith.constant 5 : i32
        %add3A_183 = arith.addi %mul3A_181, %add3A_182 : i32
        %get3A_184 = arith.index_cast %add3A_183 : i32 to index
        %get3A_185 = arith.constant 0 : index
        %get3A_186 = tpu.vector_load %arg6[%get3A_184, %get3A_185] {strides = array<i32>} : memref<400x128xf32, #tpu.memory_space<vmem>>, vector<1x16xf32>,
        %get3A_187 = vector.shape_cast %get3A_186 : vector<1x16xf32> to vector<16xf32>
        %mul3A_188 = arith.constant 8 : i32
        %mul3A_189 = arith.muli %scan3A_96, %mul3A_188 : i32
        %add3A_190 = arith.constant 5 : i32
        %add3A_191 = arith.addi %mul3A_189, %add3A_190 : i32
        %swap3A_192 = arith.index_cast %add3A_191 : i32 to index
        %swap3A_193 = arith.constant 0 : index
        %swap3A_194 = tpu.vector_load %arg7[%swap3A_192, %swap3A_193] {strides = array<i32>} : memref<400x16xf32, #tpu.memory_space<vmem>>, vector<1x16xf32>,
        %swap3A_195 = vector.shape_cast %swap3A_194 : vector<1x16xf32> to vector<16xf32>
        %swap3A_196 = vector.shape_cast %get3A_187 : vector<16xf32> to vector<1x16xf32>
        tpu.vector_store %arg7[%swap3A_192, %swap3A_193], %swap3A_196 {strides = array<i32>} : memref<400x16xf32, #tpu.memory_space<vmem>>, vector<1x16xf32>,
        %mul3A_197 = arith.constant 8 : i32
        %mul3A_198 = arith.muli %scan3A_96, %mul3A_197 : i32
        %add3A_199 = arith.constant 6 : i32
        %add3A_200 = arith.addi %mul3A_198, %add3A_199 : i32
        %get3A_201 = arith.index_cast %add3A_200 : i32 to index
        %get3A_202 = arith.constant 0 : index
        %get3A_203 = tpu.vector_load %arg6[%get3A_201, %get3A_202] {strides = array<i32>} : memref<400x128xf32, #tpu.memory_space<vmem>>, vector<1x16xf32>,
        %get3A_204 = vector.shape_cast %get3A_203 : vector<1x16xf32> to vector<16xf32>
        %mul3A_205 = arith.constant 8 : i32
        %mul3A_206 = arith.muli %scan3A_96, %mul3A_205 : i32
        %add3A_207 = arith.constant 6 : i32
        %add3A_208 = arith.addi %mul3A_206, %add3A_207 : i32
        %swap3A_209 = arith.index_cast %add3A_208 : i32 to index
        %swap3A_210 = arith.constant 0 : index
        %swap3A_211 = tpu.vector_load %arg7[%swap3A_209, %swap3A_210] {strides = array<i32>} : memref<400x16xf32, #tpu.memory_space<vmem>>, vector<1x16xf32>,
        %swap3A_212 = vector.shape_cast %swap3A_211 : vector<1x16xf32> to vector<16xf32>
        %swap3A_213 = vector.shape_cast %get3A_204 : vector<16xf32> to vector<1x16xf32>
        tpu.vector_store %arg7[%swap3A_209, %swap3A_210], %swap3A_213 {strides = array<i32>} : memref<400x16xf32, #tpu.memory_space<vmem>>, vector<1x16xf32>,
        %mul3A_214 = arith.constant 8 : i32
        %mul3A_215 = arith.muli %scan3A_96, %mul3A_214 : i32
        %add3A_216 = arith.constant 7 : i32
        %add3A_217 = arith.addi %mul3A_215, %add3A_216 : i32
        %get3A_218 = arith.index_cast %add3A_217 : i32 to index
        %get3A_219 = arith.constant 0 : index
        %get3A_220 = tpu.vector_load %arg6[%get3A_218, %get3A_219] {strides = array<i32>} : memref<400x128xf32, #tpu.memory_space<vmem>>, vector<1x16xf32>,
        %get3A_221 = vector.shape_cast %get3A_220 : vector<1x16xf32> to vector<16xf32>
        %mul3A_222 = arith.constant 8 : i32
        %mul3A_223 = arith.muli %scan3A_96, %mul3A_222 : i32
        %add3A_224 = arith.constant 7 : i32
        %add3A_225 = arith.addi %mul3A_223, %add3A_224 : i32
        %swap3A_226 = arith.index_cast %add3A_225 : i32 to index
        %swap3A_227 = arith.constant 0 : index
        %swap3A_228 = tpu.vector_load %arg7[%swap3A_226, %swap3A_227] {strides = array<i32>} : memref<400x16xf32, #tpu.memory_space<vmem>>, vector<1x16xf32>,
        %swap3A_229 = vector.shape_cast %swap3A_228 : vector<1x16xf32> to vector<16xf32>
        %swap3A_230 = vector.shape_cast %get3A_221 : vector<16xf32> to vector<1x16xf32>
        tpu.vector_store %arg7[%swap3A_226, %swap3A_227], %swap3A_230 {strides = array<i32>} : memref<400x16xf32, #tpu.memory_space<vmem>>, vector<1x16xf32>,
      }
      %scan3A_95 = arith.constant 50 : i32
      "tpu.region"() ({
        %run_scoped3A = tpu.sem_alloc : memref<!tpu.dma_semaphore, #tpu.memory_space<semaphore_mem>>
        %dma_start3A_96 = arith.constant 0 : i32
        %dma_start3A_97 = tpu.memref_slice %arg4[%add3A_11, %dma_start3A_96] : memref<320000x16xf32, #tpu.memory_space<hbm>> -> memref<400x16xf32, #tpu.memory_space<hbm>>
        %dma_start3A_98 = arith.constant 0 : i32
        %dma_start3A_99 = tpu.memref_slice %arg4[%add3A_11, %dma_start3A_98] : memref<320000x16xf32, #tpu.memory_space<hbm>> -> memref<400x16xf32, #tpu.memory_space<hbm>>
        tpu.enqueue_dma source(%arg7 : memref<400x16xf32, #tpu.memory_space<vmem>>) target(%dma_start3A_99 : memref<400x16xf32, #tpu.memory_space<hbm>>) target_semaphore(%run_scoped3A : memref<!tpu.dma_semaphore, #tpu.memory_space<semaphore_mem>>)
        %dma_wait3A_100 = arith.constant 0 : i32
        %dma_wait3A_101 = tpu.memref_slice %arg4[%add3A_11, %dma_wait3A_100] : memref<320000x16xf32, #tpu.memory_space<hbm>> -> memref<400x16xf32, #tpu.memory_space<hbm>>
        %dma_wait3A_102 = arith.constant 0 : i32
        %dma_wait3A_103 = tpu.memref_slice %arg4[%add3A_11, %dma_wait3A_102] : memref<320000x16xf32, #tpu.memory_space<hbm>> -> memref<400x16xf32, #tpu.memory_space<hbm>>
        tpu.wait_dma2 semaphore(%run_scoped3A : memref<!tpu.dma_semaphore, #tpu.memory_space<semaphore_mem>>) src(%arg7 : memref<400x16xf32, #tpu.memory_space<vmem>>) dst(%dma_wait3A_103 : memref<400x16xf32, #tpu.memory_space<hbm>>)
        tpu.yield
      }) : () -> ()
    }
    %scan3A_5 = arith.constant 25 : i32
    return
  }
}

module attributes {stable_mosaic.version = 14 : i64} {
  func.func @_mlp_body(%arg0: i32, %arg1: memref<3200x16xf32, #tpu.memory_space<vmem>>, %arg2: memref<3200x16xf32, #tpu.memory_space<vmem>>, %arg3: memref<16x64xf32, #tpu.memory_space<vmem>>, %arg4: memref<1x64xf32, #tpu.memory_space<vmem>>, %arg5: memref<1x1xf32, #tpu.memory_space<vmem>>, %arg6: memref<64x64xf32, #tpu.memory_space<vmem>>, %arg7: memref<1x64xf32, #tpu.memory_space<vmem>>, %arg8: memref<1x1xf32, #tpu.memory_space<vmem>>, %arg9: memref<64x64xf32, #tpu.memory_space<vmem>>, %arg10: memref<1x64xf32, #tpu.memory_space<vmem>>, %arg11: memref<1x1xf32, #tpu.memory_space<vmem>>, %arg12: memref<64x256xf32, #tpu.memory_space<vmem>>, %arg13: memref<1x256xf32, #tpu.memory_space<vmem>>, %arg14: memref<16x256xf32, #tpu.memory_space<vmem>>, %arg15: memref<256x16xf32, #tpu.memory_space<vmem>>, %arg16: memref<3200x16xf32, #tpu.memory_space<vmem>>) attributes {dimension_semantics = [#tpu.dimension_semantics<arbitrary>], iteration_bounds = array<i64: 100>, scalar_prefetch = 0 : i64, scratch_operands = 0 : i64, tpu.core_type = #tpu.core_type<tc>, window_params = [{transform_indices = @transform_0, window_bounds = array<i64: 3200, 16>}, {transform_indices = @transform_1, window_bounds = array<i64: 3200, 16>}, {pipeline_mode = #tpu.pipeline_mode<synchronous>, transform_indices = @transform_2, window_bounds = array<i64: 16, 64>}, {pipeline_mode = #tpu.pipeline_mode<synchronous>, transform_indices = @transform_3, window_bounds = array<i64: 1, 64>}, {pipeline_mode = #tpu.pipeline_mode<synchronous>, transform_indices = @transform_4, window_bounds = array<i64: 1, 1>}, {pipeline_mode = #tpu.pipeline_mode<synchronous>, transform_indices = @transform_5, window_bounds = array<i64: 64, 64>}, {pipeline_mode = #tpu.pipeline_mode<synchronous>, transform_indices = @transform_6, window_bounds = array<i64: 1, 64>}, {pipeline_mode = #tpu.pipeline_mode<synchronous>, transform_indices = @transform_7, window_bounds = array<i64: 1, 1>}, {pipeline_mode = #tpu.pipeline_mode<synchronous>, transform_indices = @transform_8, window_bounds = array<i64: 64, 64>}, {pipeline_mode = #tpu.pipeline_mode<synchronous>, transform_indices = @transform_9, window_bounds = array<i64: 1, 64>}, {pipeline_mode = #tpu.pipeline_mode<synchronous>, transform_indices = @transform_10, window_bounds = array<i64: 1, 1>}, {pipeline_mode = #tpu.pipeline_mode<synchronous>, transform_indices = @transform_11, window_bounds = array<i64: 64, 256>}, {pipeline_mode = #tpu.pipeline_mode<synchronous>, transform_indices = @transform_12, window_bounds = array<i64: 1, 256>}, {pipeline_mode = #tpu.pipeline_mode<synchronous>, transform_indices = @transform_13, window_bounds = array<i64: 16, 256>}, {pipeline_mode = #tpu.pipeline_mode<synchronous>, transform_indices = @transform_14, window_bounds = array<i64: 256, 16>}, {transform_indices = @transform_15, window_bounds = array<i64: 3200, 16>}]} {
    %get3A = arith.constant 0 : index
    %get3A_0 = arith.constant 0 : index
    %get3A_1 = vector.load %arg1[%get3A, %get3A_0] : memref<3200x16xf32, #tpu.memory_space<vmem>>, vector<3200x16xf32>
    %get3A_2 = arith.constant 0 : index
    %get3A_3 = arith.constant 0 : index
    %get3A_4 = vector.load %arg3[%get3A_2, %get3A_3] : memref<16x64xf32, #tpu.memory_space<vmem>>, vector<16x64xf32>
    %dot_general3A = arith.constant dense<0.000000e+00> : vector<3200x64xf32>
    %dot_general3A_5 = tpu.matmul %get3A_1, %get3A_4, %dot_general3A {dimension_numbers = #tpu.dot_dimension_numbers<[1], [0], [0], [1], [0, 0, 1, 1], [], []>, transpose_lhs_hint = false} : vector<3200x16xf32>, vector<16x64xf32>, vector<3200x64xf32> -> vector<3200x64xf32>
    %get3A_6 = arith.constant 0 : index
    %get3A_7 = arith.constant 0 : index
    %get3A_8 = vector.load %arg4[%get3A_6, %get3A_7] : memref<1x64xf32, #tpu.memory_space<vmem>>, vector<1x64xf32>
    %add3A = vector.broadcast %get3A_8 : vector<1x64xf32> to vector<3200x64xf32>
    %add3A_9 = arith.addf %dot_general3A_5, %add3A : vector<3200x64xf32>
    %get3A_10 = arith.constant 0 : index
    %get3A_11 = arith.constant 0 : index
    %get3A_12 = vector.load %arg5[%get3A_10, %get3A_11] : memref<1x1xf32, #tpu.memory_space<vmem>>, vector<1x1xf32>
    %get3A_13 = vector.extract %get3A_12[0, 0] : f32 from vector<1x1xf32>
    %ge3A = arith.constant 0.000000e+00 : f32
    %ge3A_14 = vector.broadcast %ge3A : f32 to vector<3200x64xf32>
    %ge3A_15 = arith.cmpf oge, %add3A_9, %ge3A_14 : vector<3200x64xf32>
    %mul3A = vector.broadcast %get3A_13 : f32 to vector<3200x64xf32>
    %mul3A_16 = arith.mulf %mul3A, %add3A_9 : vector<3200x64xf32>
    %select_n3A = arith.select %ge3A_15, %add3A_9, %mul3A_16 : vector<3200x64xi1>, vector<3200x64xf32>
    %get3A_17 = arith.constant 0 : index
    %get3A_18 = arith.constant 0 : index
    %get3A_19 = vector.load %arg6[%get3A_17, %get3A_18] : memref<64x64xf32, #tpu.memory_space<vmem>>, vector<64x64xf32>
    %dot_general3A_20 = arith.constant dense<0.000000e+00> : vector<3200x64xf32>
    %dot_general3A_21 = tpu.matmul %select_n3A, %get3A_19, %dot_general3A_20 {dimension_numbers = #tpu.dot_dimension_numbers<[1], [0], [0], [1], [0, 0, 1, 1], [], []>, transpose_lhs_hint = false} : vector<3200x64xf32>, vector<64x64xf32>, vector<3200x64xf32> -> vector<3200x64xf32>
    %get3A_22 = arith.constant 0 : index
    %get3A_23 = arith.constant 0 : index
    %get3A_24 = vector.load %arg7[%get3A_22, %get3A_23] : memref<1x64xf32, #tpu.memory_space<vmem>>, vector<1x64xf32>
    %add3A_25 = vector.broadcast %get3A_24 : vector<1x64xf32> to vector<3200x64xf32>
    %add3A_26 = arith.addf %dot_general3A_21, %add3A_25 : vector<3200x64xf32>
    %get3A_27 = arith.constant 0 : index
    %get3A_28 = arith.constant 0 : index
    %get3A_29 = vector.load %arg8[%get3A_27, %get3A_28] : memref<1x1xf32, #tpu.memory_space<vmem>>, vector<1x1xf32>
    %get3A_30 = vector.extract %get3A_29[0, 0] : f32 from vector<1x1xf32>
    %ge3A_31 = arith.constant 0.000000e+00 : f32
    %ge3A_32 = vector.broadcast %ge3A_31 : f32 to vector<3200x64xf32>
    %ge3A_33 = arith.cmpf oge, %add3A_26, %ge3A_32 : vector<3200x64xf32>
    %mul3A_34 = vector.broadcast %get3A_30 : f32 to vector<3200x64xf32>
    %mul3A_35 = arith.mulf %mul3A_34, %add3A_26 : vector<3200x64xf32>
    %select_n3A_36 = arith.select %ge3A_33, %add3A_26, %mul3A_35 : vector<3200x64xi1>, vector<3200x64xf32>
    %get3A_37 = arith.constant 0 : index
    %get3A_38 = arith.constant 0 : index
    %get3A_39 = vector.load %arg9[%get3A_37, %get3A_38] : memref<64x64xf32, #tpu.memory_space<vmem>>, vector<64x64xf32>
    %dot_general3A_40 = arith.constant dense<0.000000e+00> : vector<3200x64xf32>
    %dot_general3A_41 = tpu.matmul %select_n3A_36, %get3A_39, %dot_general3A_40 {dimension_numbers = #tpu.dot_dimension_numbers<[1], [0], [0], [1], [0, 0, 1, 1], [], []>, transpose_lhs_hint = false} : vector<3200x64xf32>, vector<64x64xf32>, vector<3200x64xf32> -> vector<3200x64xf32>
    %get3A_42 = arith.constant 0 : index
    %get3A_43 = arith.constant 0 : index
    %get3A_44 = vector.load %arg10[%get3A_42, %get3A_43] : memref<1x64xf32, #tpu.memory_space<vmem>>, vector<1x64xf32>
    %add3A_45 = vector.broadcast %get3A_44 : vector<1x64xf32> to vector<3200x64xf32>
    %add3A_46 = arith.addf %dot_general3A_41, %add3A_45 : vector<3200x64xf32>
    %get3A_47 = arith.constant 0 : index
    %get3A_48 = arith.constant 0 : index
    %get3A_49 = vector.load %arg11[%get3A_47, %get3A_48] : memref<1x1xf32, #tpu.memory_space<vmem>>, vector<1x1xf32>
    %get3A_50 = vector.extract %get3A_49[0, 0] : f32 from vector<1x1xf32>
    %ge3A_51 = arith.constant 0.000000e+00 : f32
    %ge3A_52 = vector.broadcast %ge3A_51 : f32 to vector<3200x64xf32>
    %ge3A_53 = arith.cmpf oge, %add3A_46, %ge3A_52 : vector<3200x64xf32>
    %mul3A_54 = vector.broadcast %get3A_50 : f32 to vector<3200x64xf32>
    %mul3A_55 = arith.mulf %mul3A_54, %add3A_46 : vector<3200x64xf32>
    %select_n3A_56 = arith.select %ge3A_53, %add3A_46, %mul3A_55 : vector<3200x64xi1>, vector<3200x64xf32>
    %get3A_57 = arith.constant 0 : index
    %get3A_58 = arith.constant 0 : index
    %get3A_59 = vector.load %arg12[%get3A_57, %get3A_58] : memref<64x256xf32, #tpu.memory_space<vmem>>, vector<64x256xf32>
    %dot_general3A_60 = arith.constant dense<0.000000e+00> : vector<3200x256xf32>
    %dot_general3A_61 = tpu.matmul %select_n3A_56, %get3A_59, %dot_general3A_60 {dimension_numbers = #tpu.dot_dimension_numbers<[1], [0], [0], [1], [0, 0, 1, 1], [], []>, transpose_lhs_hint = false} : vector<3200x64xf32>, vector<64x256xf32>, vector<3200x256xf32> -> vector<3200x256xf32>
    %get3A_62 = arith.constant 0 : index
    %get3A_63 = arith.constant 0 : index
    %get3A_64 = vector.load %arg13[%get3A_62, %get3A_63] : memref<1x256xf32, #tpu.memory_space<vmem>>, vector<1x256xf32>
    %add3A_65 = vector.broadcast %get3A_64 : vector<1x256xf32> to vector<3200x256xf32>
    %add3A_66 = arith.addf %dot_general3A_61, %add3A_65 : vector<3200x256xf32>
    %get3A_67 = arith.constant 0 : index
    %get3A_68 = arith.constant 0 : index
    %get3A_69 = vector.load %arg2[%get3A_67, %get3A_68] : memref<3200x16xf32, #tpu.memory_space<vmem>>, vector<3200x16xf32>
    %get3A_70 = arith.constant 0 : index
    %get3A_71 = arith.constant 0 : index
    %get3A_72 = vector.load %arg14[%get3A_70, %get3A_71] : memref<16x256xf32, #tpu.memory_space<vmem>>, vector<16x256xf32>
    %dot_general3A_73 = arith.constant dense<0.000000e+00> : vector<3200x256xf32>
    %dot_general3A_74 = tpu.matmul %get3A_69, %get3A_72, %dot_general3A_73 {dimension_numbers = #tpu.dot_dimension_numbers<[1], [0], [0], [1], [0, 0, 1, 1], [], []>, transpose_lhs_hint = false} : vector<3200x16xf32>, vector<16x256xf32>, vector<3200x256xf32> -> vector<3200x256xf32>
    %mul3A_75 = arith.mulf %add3A_66, %dot_general3A_74 : vector<3200x256xf32>
    %get3A_76 = arith.constant 0 : index
    %get3A_77 = arith.constant 0 : index
    %get3A_78 = vector.load %arg15[%get3A_76, %get3A_77] : memref<256x16xf32, #tpu.memory_space<vmem>>, vector<256x16xf32>
    %dot_general3A_79 = arith.constant dense<0.000000e+00> : vector<3200x16xf32>
    %dot_general3A_80 = tpu.matmul %mul3A_75, %get3A_78, %dot_general3A_79 {dimension_numbers = #tpu.dot_dimension_numbers<[1], [0], [0], [1], [0, 0, 1, 1], [], []>, transpose_lhs_hint = false} : vector<3200x256xf32>, vector<256x16xf32>, vector<3200x16xf32> -> vector<3200x16xf32>
    %swap3A = arith.constant 0 : index
    %swap3A_81 = arith.constant 0 : index
    %swap3A_82 = vector.load %arg16[%swap3A, %swap3A_81] : memref<3200x16xf32, #tpu.memory_space<vmem>>, vector<3200x16xf32>
    tpu.vector_store %arg16[%swap3A, %swap3A_81], %dot_general3A_80 {strides = array<i32>} : memref<3200x16xf32, #tpu.memory_space<vmem>>, vector<3200x16xf32>,
    return
  }
  func.func @transform_0(%arg0: i32) -> (i32, i32) {
    %c0_i32 = arith.constant 0 : i32
    %c0_i32_0 = arith.constant 0 : i32
    return %arg0, %c0_i32 : i32, i32
  }
  func.func @transform_1(%arg0: i32) -> (i32, i32) {
    %c0_i32 = arith.constant 0 : i32
    %c0_i32_0 = arith.constant 0 : i32
    return %arg0, %c0_i32 : i32, i32
  }
  func.func @transform_2(%arg0: i32) -> (i32, i32) {
    %c0_i32 = arith.constant 0 : i32
    %c0_i32_0 = arith.constant 0 : i32
    %c0_i32_1 = arith.constant 0 : i32
    return %c0_i32, %c0_i32_0 : i32, i32
  }
  func.func @transform_3(%arg0: i32) -> (i32, i32) {
    %c0_i32 = arith.constant 0 : i32
    %c0_i32_0 = arith.constant 0 : i32
    %c0_i32_1 = arith.constant 0 : i32
    return %c0_i32, %c0_i32_0 : i32, i32
  }
  func.func @transform_4(%arg0: i32) -> (i32, i32) {
    %c0_i32 = arith.constant 0 : i32
    %c0_i32_0 = arith.constant 0 : i32
    %c0_i32_1 = arith.constant 0 : i32
    return %c0_i32, %c0_i32_0 : i32, i32
  }
  func.func @transform_5(%arg0: i32) -> (i32, i32) {
    %c0_i32 = arith.constant 0 : i32
    %c0_i32_0 = arith.constant 0 : i32
    %c0_i32_1 = arith.constant 0 : i32
    return %c0_i32, %c0_i32_0 : i32, i32
  }
  func.func @transform_6(%arg0: i32) -> (i32, i32) {
    %c0_i32 = arith.constant 0 : i32
    %c0_i32_0 = arith.constant 0 : i32
    %c0_i32_1 = arith.constant 0 : i32
    return %c0_i32, %c0_i32_0 : i32, i32
  }
  func.func @transform_7(%arg0: i32) -> (i32, i32) {
    %c0_i32 = arith.constant 0 : i32
    %c0_i32_0 = arith.constant 0 : i32
    %c0_i32_1 = arith.constant 0 : i32
    return %c0_i32, %c0_i32_0 : i32, i32
  }
  func.func @transform_8(%arg0: i32) -> (i32, i32) {
    %c0_i32 = arith.constant 0 : i32
    %c0_i32_0 = arith.constant 0 : i32
    %c0_i32_1 = arith.constant 0 : i32
    return %c0_i32, %c0_i32_0 : i32, i32
  }
  func.func @transform_9(%arg0: i32) -> (i32, i32) {
    %c0_i32 = arith.constant 0 : i32
    %c0_i32_0 = arith.constant 0 : i32
    %c0_i32_1 = arith.constant 0 : i32
    return %c0_i32, %c0_i32_0 : i32, i32
  }
  func.func @transform_10(%arg0: i32) -> (i32, i32) {
    %c0_i32 = arith.constant 0 : i32
    %c0_i32_0 = arith.constant 0 : i32
    %c0_i32_1 = arith.constant 0 : i32
    return %c0_i32, %c0_i32_0 : i32, i32
  }
  func.func @transform_11(%arg0: i32) -> (i32, i32) {
    %c0_i32 = arith.constant 0 : i32
    %c0_i32_0 = arith.constant 0 : i32
    %c0_i32_1 = arith.constant 0 : i32
    return %c0_i32, %c0_i32_0 : i32, i32
  }
  func.func @transform_12(%arg0: i32) -> (i32, i32) {
    %c0_i32 = arith.constant 0 : i32
    %c0_i32_0 = arith.constant 0 : i32
    %c0_i32_1 = arith.constant 0 : i32
    return %c0_i32, %c0_i32_0 : i32, i32
  }
  func.func @transform_13(%arg0: i32) -> (i32, i32) {
    %c0_i32 = arith.constant 0 : i32
    %c0_i32_0 = arith.constant 0 : i32
    %c0_i32_1 = arith.constant 0 : i32
    return %c0_i32, %c0_i32_0 : i32, i32
  }
  func.func @transform_14(%arg0: i32) -> (i32, i32) {
    %c0_i32 = arith.constant 0 : i32
    %c0_i32_0 = arith.constant 0 : i32
    %c0_i32_1 = arith.constant 0 : i32
    return %c0_i32, %c0_i32_0 : i32, i32
  }
  func.func @transform_15(%arg0: i32) -> (i32, i32) {
    %c0_i32 = arith.constant 0 : i32
    %c0_i32_0 = arith.constant 0 : i32
    return %arg0, %c0_i32 : i32, i32
  }
}

module attributes {stable_mosaic.version = 14 : i64} {
  func.func @_combine_body(%arg0: i32, %arg1: memref<32x200x17xf32, #tpu.memory_space<vmem>>, %arg2: memref<200x16xf32, #tpu.memory_space<vmem>>, %arg3: memref<16x16xf32, #tpu.memory_space<vmem>>, %arg4: memref<1x16xf32, #tpu.memory_space<vmem>>, %arg5: memref<1x1xf32, #tpu.memory_space<vmem>>, %arg6: memref<200x16xf32, #tpu.memory_space<vmem>>) attributes {dimension_semantics = [#tpu.dimension_semantics<arbitrary>], iteration_bounds = array<i64: 50>, scalar_prefetch = 0 : i64, scratch_operands = 0 : i64, tpu.core_type = #tpu.core_type<tc>, window_params = [{transform_indices = @transform_0, window_bounds = array<i64: 32, 200, 17>}, {transform_indices = @transform_1, window_bounds = array<i64: 200, 16>}, {pipeline_mode = #tpu.pipeline_mode<synchronous>, transform_indices = @transform_2, window_bounds = array<i64: 16, 16>}, {pipeline_mode = #tpu.pipeline_mode<synchronous>, transform_indices = @transform_3, window_bounds = array<i64: 1, 16>}, {pipeline_mode = #tpu.pipeline_mode<synchronous>, transform_indices = @transform_4, window_bounds = array<i64: 1, 1>}, {transform_indices = @transform_5, window_bounds = array<i64: 200, 16>}]} {
    %get3A = arith.constant 0 : index
    %get3A_0 = arith.constant 0 : index
    %get3A_1 = arith.constant 0 : index
    %get3A_2 = vector.load %arg1[%get3A, %get3A_0, %get3A_1] : memref<32x200x17xf32, #tpu.memory_space<vmem>>, vector<32x200x17xf32>
    %reduce_sum3A = arith.constant dense<0.000000e+00> : vector<200x17xf32>
    %reduce_sum3A_3 = vector.multi_reduction <add>, %get3A_2, %reduce_sum3A [0] : vector<32x200x17xf32> to vector<200x17xf32>
    %slice3A = vector.extract_strided_slice %reduce_sum3A_3 {offsets = [0, 16], sizes = [200, 1], strides = [1, 1]} : vector<200x17xf32> to vector<200x1xf32>
    %max3A = arith.constant 1.000000e+00 : f32
    %max3A_4 = vector.broadcast %max3A : f32 to vector<200x1xf32>
    %max3A_5 = arith.maximumf %slice3A, %max3A_4 : vector<200x1xf32>
    %slice3A_6 = vector.extract_strided_slice %reduce_sum3A_3 {offsets = [0, 0], sizes = [200, 16], strides = [1, 1]} : vector<200x17xf32> to vector<200x16xf32>
    %div3A = vector.broadcast %max3A_5 : vector<200x1xf32> to vector<200x16xf32>
    %div3A_7 = arith.divf %slice3A_6, %div3A : vector<200x16xf32>
    %get3A_8 = arith.constant 0 : index
    %get3A_9 = arith.constant 0 : index
    %get3A_10 = vector.load %arg2[%get3A_8, %get3A_9] : memref<200x16xf32, #tpu.memory_space<vmem>>, vector<200x16xf32>
    %get3A_11 = arith.constant 0 : index
    %get3A_12 = arith.constant 0 : index
    %get3A_13 = vector.load %arg3[%get3A_11, %get3A_12] : memref<16x16xf32, #tpu.memory_space<vmem>>, vector<16x16xf32>
    %dot_general3A = arith.constant dense<0.000000e+00> : vector<200x16xf32>
    %dot_general3A_14 = tpu.matmul %get3A_10, %get3A_13, %dot_general3A {dimension_numbers = #tpu.dot_dimension_numbers<[1], [0], [0], [1], [0, 0, 1, 1], [], []>, transpose_lhs_hint = false} : vector<200x16xf32>, vector<16x16xf32>, vector<200x16xf32> -> vector<200x16xf32>
    %add3A = arith.addf %div3A_7, %dot_general3A_14 : vector<200x16xf32>
    %get3A_15 = arith.constant 0 : index
    %get3A_16 = arith.constant 0 : index
    %get3A_17 = vector.load %arg4[%get3A_15, %get3A_16] : memref<1x16xf32, #tpu.memory_space<vmem>>, vector<1x16xf32>
    %add3A_18 = vector.broadcast %get3A_17 : vector<1x16xf32> to vector<200x16xf32>
    %add3A_19 = arith.addf %add3A, %add3A_18 : vector<200x16xf32>
    %get3A_20 = arith.constant 0 : index
    %get3A_21 = arith.constant 0 : index
    %get3A_22 = vector.load %arg5[%get3A_20, %get3A_21] : memref<1x1xf32, #tpu.memory_space<vmem>>, vector<1x1xf32>
    %get3A_23 = vector.extract %get3A_22[0, 0] : f32 from vector<1x1xf32>
    %ge3A = arith.constant 0.000000e+00 : f32
    %ge3A_24 = vector.broadcast %ge3A : f32 to vector<200x16xf32>
    %ge3A_25 = arith.cmpf oge, %add3A_19, %ge3A_24 : vector<200x16xf32>
    %mul3A = vector.broadcast %get3A_23 : f32 to vector<200x16xf32>
    %mul3A_26 = arith.mulf %mul3A, %add3A_19 : vector<200x16xf32>
    %select_n3A = arith.select %ge3A_25, %add3A_19, %mul3A_26 : vector<200x16xi1>, vector<200x16xf32>
    %swap3A = arith.constant 0 : index
    %swap3A_27 = arith.constant 0 : index
    %swap3A_28 = vector.load %arg6[%swap3A, %swap3A_27] : memref<200x16xf32, #tpu.memory_space<vmem>>, vector<200x16xf32>
    tpu.vector_store %arg6[%swap3A, %swap3A_27], %select_n3A {strides = array<i32>} : memref<200x16xf32, #tpu.memory_space<vmem>>, vector<200x16xf32>,
    return
  }
  func.func @transform_0(%arg0: i32) -> (i32, i32, i32) {
    %c0_i32 = arith.constant 0 : i32
    %c0_i32_0 = arith.constant 0 : i32
    %c0_i32_1 = arith.constant 0 : i32
    return %c0_i32, %arg0, %c0_i32_0 : i32, i32, i32
  }
  func.func @transform_1(%arg0: i32) -> (i32, i32) {
    %c0_i32 = arith.constant 0 : i32
    %c0_i32_0 = arith.constant 0 : i32
    return %arg0, %c0_i32 : i32, i32
  }
  func.func @transform_2(%arg0: i32) -> (i32, i32) {
    %c0_i32 = arith.constant 0 : i32
    %c0_i32_0 = arith.constant 0 : i32
    %c0_i32_1 = arith.constant 0 : i32
    return %c0_i32, %c0_i32_0 : i32, i32
  }
  func.func @transform_3(%arg0: i32) -> (i32, i32) {
    %c0_i32 = arith.constant 0 : i32
    %c0_i32_0 = arith.constant 0 : i32
    %c0_i32_1 = arith.constant 0 : i32
    return %c0_i32, %c0_i32_0 : i32, i32
  }
  func.func @transform_4(%arg0: i32) -> (i32, i32) {
    %c0_i32 = arith.constant 0 : i32
    %c0_i32_0 = arith.constant 0 : i32
    %c0_i32_1 = arith.constant 0 : i32
    return %c0_i32, %c0_i32_0 : i32, i32
  }
  func.func @transform_5(%arg0: i32) -> (i32, i32) {
    %c0_i32 = arith.constant 0 : i32
    %c0_i32_0 = arith.constant 0 : i32
    return %arg0, %c0_i32 : i32, i32
  }
}

</mosaic_0001>

<sc_bundles>
// kernel: kernel.6.cloned.1.call-start
scs
__scs_entry_jumppad:
0x0: {  	(pc) =	sbr.rel $0x88, $3  }
0x1: {  	(tag) =	ssettag $0x0;
	lr =	simm.s32 $0x1  }
0x2: {  	[smem:$0x3F90] =	sst lr;
	_ =	strace $0xD0000000  }
0x3: {  	_ = 	snop  }
0x4: {  	_ = 	snop  }
0x5: {  	_ = 	snop  }
0x6: {  	_ = 	snop  }
0x7: {  	_ = 	snop  }
__scs_overlays_trampoline_lowered:
0x8: {  	[smem:$0x3F9F] =	sst s0  }
0x9: {  	[smem:$0x3FA0] =	sst s1  }
0xa: {  	[smem:$0x3FA1] =	sst s2  }
0xb: {  	[smem:$0x3FA2] =	sst s3  }
0xc: {  	[smem:$0x3FA3] =	sst s4  }
0xd: {  	[smem:$0x3FA4] =	sst s5  }
0xe: {  	[smem:$0x3FA5] =	sst s6  }
0xf: {  	[smem:$0x3FA6] =	sst s7  }
0x10: {  	[smem:$0x3FA7] =	sst s8  }
0x11: {  	[smem:$0x3FA8] =	sst s9;
	s0 =	simm.s32 @!p0 $0x0  }
0x12: {  	s1 =	sld [smem:$0x3F8E];
	s0 =	simm.s32 @p0 $0x1  }
0x13: {  	[smem:$0x3FA9] =	sst s0;
	s0 =	simm.s32 @!p1 $0x0  }
0x14: {  	s2 =	sld [smem:$0x3F8D];
	s0 =	simm.s32 @p1 $0x1  }
0x15: {  	[smem:$0x3FAA] =	sst s0;
	s0 =	simm.s32 @!p2 $0x0  }
0x16: {  	s3 =	sld [smem:$0x3FDB];
	s0 =	simm.s32 @p2 $0x1  }
0x17: {  	s4 =	simm.s32 $0x1BF5;
	[smem:$0x3FAC] =	sst s0  }
0x18: {  	s0 =	sld [smem:$0x3F8F];
	_ =	swait.ge [sflag:s4], $0x0  }
0x19: {  	s7 =	sld [smem:$0x3F90]  }
0x1a: {  	s8 =	sadd.s32 $0xFFFFE003, lr  }
0x1b: {  	s9 =	sadd.s32 $0xFFFFFEF7, lr;
	s5 =	simm.s32 $0xFFFFFFFF;
	p2 =	slt.u32 s8, $0xFFFFF086  }
0x1c: {  	p1 =	slt.u32 s9, $0xF7A;
	s5 =	simm.s32 @!p2 $0x0  }
0x1d: {  	s5 =	simm.s32 @p1 $0x1;
	p0 =	seq.s32 s7, s2  }
0x1e: {  	s7 =	smul.u32 @!p0 $0xF7A, s2;
	p2 =	seq.s32 @!p0 s5, $0x0  }
0x1f: {  	s9 =	smul.u32 $0xF7A, s1;
	s8 =	simm.s32 @!p0 $0x1BF5;
	p2 =	por !p2, p0  }
0x20: {  	[sflag:s8] =	ssyncset.s32 @!p0 $0xFFFFF086;
	s6 =	sadd.s32 @!p0 s3, s7;
	s7 =	simm.s32 @!p0 $0x108  }
0x21: {  	s3 =	sadd.s32 s3, s9;
	s6 =	sadd.s32 @!p0 $0x88, s6;
	s7 =	simm.s32 @p2 $0x1082  }
0x22: {  	[simem:s7], [sflag:s8] =	dma.local @!p0 [hbm:s6], $0xF7A  }
0x23: {  	s9 =	sor.u32 $0xD0000000, s2;
	s6 =	simm.s32 $0x108;
	_ =	swait.ge @!p0 [sflag:s8], $0x0  }
0x24: {  	s3 =	sadd.s32 $0x88, s3;
	s6 =	simm.s32 @!p1 $0x1082;
	[sflag:s4] =	ssyncset.s32 $0xFFFFF086  }
0x25: {  	[simem:s6], [sflag:s4] =	dma.local [hbm:s3], $0xF7A  }
0x26: {  	[smem:$0x3F90] =	sst s1;
	(tag) =	ssettag s2;
	_ =	strace s9  }
0x27: {  	s1 =	sld [smem:$0x3FA0]  }
0x28: {  	s2 =	sld [smem:$0x3FA1]  }
0x29: {  	s4 =	sld [smem:$0x3FA3]  }
0x2a: {  	p0 =	seq.s32 s5, $0x0;
	s5 =	sld [smem:$0x3FA4]  }
0x2b: {  	s6 =	sld [smem:$0x3FA5]  }
0x2c: {  	s7 =	sld [smem:$0x3FA6]  }
0x2d: {  	s3 =	simm.s32 $0x108;
	s8 =	sld [smem:$0x3FA7]  }
0x2e: {  	s3 =	simm.s32 @!p0 $0x1082;
	s9 =	sld [smem:$0x3FA8]  }
0x2f: {  	lr =	sadd.s32 s0, s3;
	s0 =	sld [smem:$0x3F9F]  }
0x30: {  	s3 =	sld [smem:$0x3FA2]  }
0x31: {  	[smem:$0x3FAB] =	sst s10  }
0x32: {  	s10 =	sld [smem:$0x3FA9];
	_ =	sdelay $0x3  }
0x33: {  	p0 =	seq.s32 s10, $0x1;
	s10 =	sld [smem:$0x3FAB];
	_ =	sdelay $0x3  }
0x34: {  	[smem:$0x3FAB] =	sst s10  }
0x35: {  	s10 =	sld [smem:$0x3FAA];
	_ =	sdelay $0x3  }
0x36: {  	p1 =	seq.s32 s10, $0x1;
	s10 =	sld [smem:$0x3FAB];
	_ =	sdelay $0x3  }
0x37: {  	[smem:$0x3FAB] =	sst s10  }
0x38: {  	s10 =	sld [smem:$0x3FAC]  }
0x39: {  	_ = 	snop;
	(pc) =	sbr.ind lr, $3  }
0x3a: {  	_ = 	snop  }
0x3b: {  	_ = 	snop  }
0x3c: {  	p2 =	seq.s32 s10, $0x1;
	s10 =	sld [smem:$0x3FAB]  }
0x3d: {  	_ =	shalt  }
0x3e: {  	_ =	shalt  }
0x3f: {  	_ =	shalt  }
0x40: {  	_ =	shalt  }
0x41: {  	_ =	shalt  }
0x42: {  	_ =	shalt  }
0x43: {  	_ =	shalt  }
0x44: {  	_ =	shalt  }
0x45: {  	_ =	shalt  }
0x46: {  	_ =	shalt  }
0x47: {  	_ =	shalt  }
0x48: {  	_ =	shalt  }
0x49: {  	_ =	shalt  }
0x4a: {  	_ =	shalt  }
0x4b: {  	_ =	shalt  }
0x4c: {  	_ =	shalt  }
0x4d: {  	_ =	shalt  }
0x4e: {  	_ =	shalt  }
0x4f: {  	_ =	shalt  }
0x50: {  	_ =	shalt  }
0x51: {  	_ =	shalt  }
0x52: {  	_ =	shalt  }
0x53: {  	_ =	shalt  }
0x54: {  	_ =	shalt  }
0x55: {  	_ =	shalt  }
0x56: {  	_ =	shalt  }
0x57: {  	_ =	shalt  }
0x58: {  	_ =	shalt  }
0x59: {  	_ =	shalt  }
0x5a: {  	_ =	shalt  }
0x5b: {  	_ =	shalt  }
0x5c: {  	_ =	shalt  }
0x5d: {  	_ =	shalt  }
0x5e: {  	_ =	shalt  }
0x5f: {  	_ =	shalt  }
0x60: {  	_ =	shalt  }
0x61: {  	_ =	shalt  }
0x62: {  	_ =	shalt  }
0x63: {  	_ =	shalt  }
0x64: {  	_ =	shalt  }
0x65: {  	_ =	shalt  }
0x66: {  	_ =	shalt  }
0x67: {  	_ =	shalt  }
0x68: {  	_ =	shalt  }
0x69: {  	_ =	shalt  }
0x6a: {  	_ =	shalt  }
0x6b: {  	_ =	shalt  }
0x6c: {  	_ =	shalt  }
0x6d: {  	_ =	shalt  }
0x6e: {  	_ =	shalt  }
0x6f: {  	_ =	shalt  }
0x70: {  	_ =	shalt  }
0x71: {  	_ =	shalt  }
0x72: {  	_ =	shalt  }
0x73: {  	_ =	shalt  }
0x74: {  	_ =	shalt  }
0x75: {  	_ =	shalt  }
0x76: {  	_ =	shalt  }
0x77: {  	_ =	shalt  }
0x78: {  	_ =	shalt  }
0x79: {  	_ =	shalt  }
0x7a: {  	_ =	shalt  }
0x7b: {  	_ =	shalt  }
0x7c: {  	_ =	shalt  }
0x7d: {  	_ =	shalt  }
0x7e: {  	_ =	shalt  }
0x7f: {  	_ =	shalt  }
0x80: {  	_ =	shalt  }
0x81: {  	_ =	shalt  }
0x82: {  	_ =	shalt  }
0x83: {  	_ =	shalt  }
0x84: {  	_ =	shalt  }
0x85: {  	_ =	shalt  }
0x86: {  	_ =	shalt  }
0x87: {  	_ =	shalt  }
.Lfunc_end0:
.L_simem_size_0:
called_computation_lowered:
.L_overlay_start_0:
0x88: {  	s2 =	sld [smem:$0x3FD9]  }
0x89: {  	s3 =	sld [smem:$0x3FFE];
	_ =	sdelay $0x1  }
0x8a: {  	s1 =	srdreg.scid  }
0x8b: {  	s0 =	sand.u32 $0x1, s1  }
0x8c: {  	s16 =	sshll.u32 s0, $0xA;
	s2 =	sadd.s32 s3, s2  }
0x8d: {  	s2 =	sadd.s32 s2, s16  }
0x8e: {  	[smem:$0x3FB7] =	sst s2  }
0x8f: {  	_ = 	snop  }
0x90: {  	(tm) =	ssettm $0x1  }
0x91: {  	s17 =	sld [smem:$0x3FFB];
	_ =	sdelay $0x3  }
0x92: {  	_ =	strace s17  }
0x93: {  	s2 =	sld [smem:$0x3FFC];
	_ =	sdelay $0x3  }
0x94: {  	_ =	strace s2  }
0x95: {  	s2 =	sld [smem:$0x3FFD];
	_ =	sdelay $0x3  }
0x96: {  	_ =	strace s2  }
0x97: {  	_ =	strace $0x8FFFFFFF  }
0x98: {  	s18 =	sld [smem:$0x3FDB];
	_ =	sdelay $0x1  }
0x99: {  	s19 =	simm.s32 $_scs_section_size  }
0x9a: {  	s4 =	simm.s32 $_size__tile_overlayer_lowered;
	s5 =	simm.s32 $_tile_overlayer_lowered  }
0x9b: {  	s22 =	simm.s32 $0x1BFF;
	s21 =	sshll.u32 s5, $0x1;
	s2 =	sadd.s32 s19, s18  }
0x9c: {  	s6 =	simm.s32 $0x0;
	s20 =	sshll.u32 s4, $0x1;
	s4 =	sadd.s32 s21, s2  }
0x9d: {  	[timem:s6], [sflag:s22] =	dma.local [hbm:s4], s20  }
0x9e: {  	_ =	swait.ge [sflag:s22], s20  }
0x9f: {  	s3 =	ssub.s32 $0x0, s20;
	[sflag:s22] =	ssyncset.done $0x0  }
0xa0: {  	[sflag:s22] =	ssyncadd.s32 s3;
	_ =	sdelay $0x1  }
0xa1: {  	s23 =	simm.s32 $0x1B8B  }
0xa2: {  	_ =	swait.ge [sflag:s23], $0x1  }
0xa3: {  	[sflag:s23] =	ssyncset.done $0x0  }
0xa4: {  	s25 =	simm.s32 $0x1B8E;
	s24 =	sld [smem:$0x3FFE];
	[sflag:s23] =	ssyncadd.s32 $0xFFFFFFFF  }
0xa5: {  	s26 =	simm.s32 $execute0_lowered;
	[smem:$0x3FD2] =	sst s25  }
0xa6: {  	s4 =	sshll.u32 s26, $0x1;
	_ =	strace $0x80000046;
	[dreg:$0x1] =	wrdreg $0xFFFFFFFF  }
0xa7: {  	s28 =	simm.s32 $_size_execute0_lowered;
	s2 =	sadd.s32 s2, s4;
	[dreg:$0x0] =	wrdreg $0x0  }
0xa8: {  	s4 =	sshll.u32 s28, $0x1;
	[dreg:$0x2] =	wrdreg s2  }
0xa9: {  	[dreg:$0x3] =	wrdreg s4  }
0xaa: {  	[dreg:$0x4] =	wrdreg $0xC0  }
0xab: {  	_ =	task [dreg:s6], $0x5FFFF  }
0xac: {  	[dreg:$0x1] =	wrdreg $0xFFFFFFFF  }
0xad: {  	[dreg:$0x0] =	wrdreg $0x60  }
0xae: {  	[dreg:$0x2] =	wrdreg s24  }
0xaf: {  	[dreg:$0x3] =	wrdreg $0x9  }
0xb0: {  	_ =	task.clear_ibuf [dreg:s6], $0x4FFFF;
	_ =	strace $0x90000046  }
0xb1: {  	s29 =	simm.s32 $0x9;
	_ =	strace $0x80000048  }
0xb2: {  	_ =	swait.ge [sflag:s29], $0x1  }
0xb3: {  	[sflag:s29] =	ssyncadd.s32 $0xFFFFFFFF  }
0xb4: {  	_ =	strace $0x90000048  }
0xb5: {  	_ =	sfence  }
0xb6: {  	s30 =	sld [smem:$0x0];
	_ =	sdelay $0x2  }
0xb7: {  	s31 =	sshll.u32 s1, $0xD;
	s1 =	sshrl.u32 s1, $0x2  }
0xb8: {  	s3 =	sand.u32 $0x4000, s31;
	s1 =	sadd.s32 s1, s30  }
0xb9: {  	s0 =	sor.u32 s3, s0;
	s1 =	sshll.u32 s1, $0x11  }
0xba: {  	s0 =	sor.u32 s1, s0  }
0xbb: {  	s0 =	sadd.s32 $0x8F2B, s0  }
0xbc: {  	[sflag:s0] =	ssyncadd.remote.s32 $0x1  }
0xbd: {  	_ =	sfence.sel $0xFFFF  }
0xbe: {  	[dreg:$0x0] =	wrdreg $0xFFFFFFFF;
	(pc) =	sbr.abs _section_cstart, $3  }
0xbf: {  	[dreg:$0x1] =	wrdreg $0xFFFFFFFF  }
0xc0: {  	_ =	task.clear_ibuf [dreg:s6], $0x2FFFF;
	_ =	strace $0x9FFFFFFF  }
0xc1: {  	(tm) =	ssettm $0x7FFFFFFF  }
tec
execute0_lowered:
.L_overlay_start_1:
0x0: {  	(tag) =	ssettag $0x1  }
0x1: {  	s5 =	rddreg [dreg:$0x0]  }
0x2: {  	s0 =	rddreg [dreg:$0x1];
	s1 =	simm.s32 $0x0;
	s2 =	srdreg.scid  }
0x3: {  	s10 =	simm.s32 $0x200;
	s11 =	simm.s32 $0x2A00;
	s12 =	simm.s32 $0xA0  }
0x4: {  	s13 =	simm.s32 $0x5200;
	s14 =	simm.s32 $0xF0;
	s15 =	simm.s32 $0x7A00  }
0x5: {  	s16 =	simm.s32 $0x140;
	s17 =	simm.s32 $0xA200;
	s18 =	simm.s32 $0x1  }
0x6: {  	s19 =	simm.s32 $0xCA00;
	s20 =	simm.s32 $0x0;
	[smem:$0x7FF] =	sst s1  }
0x7: {  	s6 =	sand.u32 $0x1, s2;
	s3 =	sadd.s32 $0x3CE00, s5;
	s2 =	stileid.u32  }
0x8: {  	s4 =	sadd.s32 $0x29200, s5;
	s5 =	sadd.s32 $0x64000, s5;
	s7 =	ssub.s32 $0x2, s6  }
0x9: {  	_ =	strace $0x80000047;
	s9 =	sshll.u32 s2, $0x1;
	s8 =	sshrl.u32 s7, $0x1  }
0xa: {  	s6 =	sor.u32 s6, s9;
	s9 =	simm.s32 $0x50;
	s7 =	ssub.s32 s7, s8  }
0xb: {  	s6 =	smul.u32 $0x2710, s6;
	s8 =	simm.s32 $0x2;
	s7 =	smax.u32 s7, $0x1  }
.LBB2_1:
0xc: {  	s21 =	simm.s32 $0x0  }
.LBB2_2:
0xd: {  	s22 =	smul.u32 $0x190, s21;
	_ =	sdelay $0x1  }
0xe: {  	s22 =	sadd.s32 s6, s22  }
0xf: {  	s23 =	sshrl.u32 s22, $0x3  }
0x10: {  	s24 =	simm.s32 $0x0;
	s23 =	sadd.s32 s4, s23  }
0x11: {  	[tilespmem:s24], [sflag:$0x2] =	stream.linear.gather [hbm4b:s23+s24], $0x190, $0x38;
	[tilespmem:$0x19200] =	vst v63  }
0x12: {  	_ =	swait.ge [sflag:s8], $0x190  }
0x13: {  	[sflag:s8] =	ssyncset.done $0x0  }
0x14: {  	[sflag:s8] =	ssyncadd.s32 $0xFFFFFE70  }
0x15: {  	[tilespmem:s10], [sflag:$0x1] =	stream.indirect.gather [hbm4b:s3+s9], $0x80, s24, s9, $0xb8;
	[tilespmem:$0x19200] =	vst v63  }
0x16: {  	_ = 	snop  }
0x17: {  	[tilespmem:s11], [sflag:$0x1] =	stream.indirect.gather [hbm4b:s3+s9], $0x80, s9, s9, $0xb8;
	[tilespmem:$0x19200] =	vst v63  }
0x18: {  	_ = 	snop  }
0x19: {  	[tilespmem:s13], [sflag:$0x1] =	stream.indirect.gather [hbm4b:s3+s9], $0x80, s12, s9, $0xb8;
	[tilespmem:$0x19200] =	vst v63  }
0x1a: {  	_ = 	snop  }
0x1b: {  	[tilespmem:s15], [sflag:$0x1] =	stream.indirect.gather [hbm4b:s3+s9], $0x80, s14, s9, $0xb8;
	[tilespmem:$0x19200] =	vst v63  }
0x1c: {  	_ = 	snop  }
0x1d: {  	[tilespmem:s17], [sflag:$0x1] =	stream.indirect.gather [hbm4b:s3+s9], $0x80, s16, s9, $0xb8;
	[tilespmem:$0x19200] =	vst v63  }
0x1e: {  	_ =	swait.ge [sflag:s18], $0x2800  }
0x1f: {  	[sflag:s18] =	ssyncset.done $0x0  }
0x20: {  	[sflag:s18] =	ssyncadd.s32 $0xFFFFD800  }
0x21: {  	_ =	swait.ge [sflag:s18], $0x2800  }
0x22: {  	[sflag:s18] =	ssyncset.done $0x0  }
0x23: {  	[sflag:s18] =	ssyncadd.s32 $0xFFFFD800  }
0x24: {  	_ =	swait.ge [sflag:s18], $0x2800  }
0x25: {  	[sflag:s18] =	ssyncset.done $0x0  }
0x26: {  	[sflag:s18] =	ssyncadd.s32 $0xFFFFD800  }
0x27: {  	_ =	swait.ge [sflag:s18], $0x2800  }
0x28: {  	[sflag:s18] =	ssyncset.done $0x0  }
0x29: {  	[sflag:s18] =	ssyncadd.s32 $0xFFFFD800  }
0x2a: {  	_ =	swait.ge [sflag:s18], $0x2800  }
0x2b: {  	[sflag:s18] =	ssyncset.done $0x0  }
0x2c: {  	s23 =	simm.s32 $0x0;
	[sflag:s18] =	ssyncadd.s32 $0xFFFFD800  }
0x2d: {  	v3 =	vld [tilespmem:s23+$0x580]  }
0x2e: {  	v4 =	vld [tilespmem:s23+$0x200]  }
0x2f: {  	v5 =	vld [tilespmem:s23+$0x280]  }
0x30: {  	v2 =	vld [tilespmem:s23+$0x300]  }
0x31: {  	v0 =	vld [tilespmem:s23+$0x380]  }
0x32: {  	v1 =	vld [tilespmem:s23+$0x400];
	[tilespmem:s23+$0xCD80] =	vst v3  }
0x33: {  	[tilespmem:s23+$0xCA00] =	vst v4;
	v3 =	vld [tilespmem:s23+$0x480]  }
0x34: {  	s25 =	simm.s32 $0x2000;
	s24 =	simm.s32 $0x400;
	[tilespmem:s23+$0xCA80] =	vst v5;
	v4 =	vld [tilespmem:s23+$0x500]  }
.LBB2_3:
0x35: {  	p0 =	sne.s32 s25, $0x31000;
	v5 =	vld [tilespmem:s24+$0x580];
	[tilespmem:s23+$0xCB00] =	vst v2  }
0x36: {  	v6 =	vld [tilespmem:s24+$0x200];
	[tilespmem:s23+$0xCB80] =	vst v0  }
0x37: {  	v7 =	vld [tilespmem:s24+$0x280];
	[tilespmem:s23+$0xCC00] =	vst v1  }
.Ltmp0:
0x38: {  	v2 =	vld [tilespmem:s24+$0x300];
	[tilespmem:s23+$0xCC80] =	vst v3;
	(pc) =	sbr.rel @p0 .LBB2_3-.Ltmp0, $4  }
0x39: {  	v0 =	vld [tilespmem:s24+$0x380];
	[tilespmem:s23+$0xCD00] =	vst v4;
	s23 =	smov.u32 s24  }
0x3a: {  	v1 =	vld [tilespmem:s23+$0x400];
	[tilespmem:s23+$0xCD80] =	vst v5  }
0x3b: {  	[tilespmem:s23+$0xCA00] =	vst v6;
	v3 =	vld [tilespmem:s23+$0x480]  }
0x3c: {  	s24 =	sshra.s32 s25, $0x2;
	s25 =	sadd.s32 $0x1000, s25;
	[tilespmem:s23+$0xCA80] =	vst v7;
	v4 =	vld [tilespmem:s23+$0x500]  }
0x3d: {  	v5 =	vld [tilespmem:s24+$0x580];
	[tilespmem:s23+$0xCB00] =	vst v2  }
0x3e: {  	v2 =	vld [tilespmem:s24+$0x200];
	[tilespmem:s23+$0xCB80] =	vst v0  }
0x3f: {  	v0 =	vld [tilespmem:s24+$0x280];
	[tilespmem:s23+$0xCC00] =	vst v1  }
0x40: {  	v1 =	vld [tilespmem:s24+$0x300];
	[tilespmem:s23+$0xCC80] =	vst v3  }
0x41: {  	v3 =	vld [tilespmem:s24+$0x380];
	[tilespmem:s23+$0xCD00] =	vst v4  }
0x42: {  	v4 =	vld [tilespmem:s24+$0x400];
	[tilespmem:s24+$0xCD80] =	vst v5  }
0x43: {  	v62 =	vld [tilespmem:s24+$0x480];
	[tilespmem:s24+$0xCA00] =	vst v2  }
0x44: {  	v63 =	vld [tilespmem:s24+$0x500];
	[tilespmem:s24+$0xCA80] =	vst v0  }
0x45: {  	[tilespmem:s24+$0xCB00] =	vst v1  }
0x46: {  	[tilespmem:s24+$0xCB80] =	vst v3  }
0x47: {  	s21 =	sadd.s32 $0x1, s21;
	[tilespmem:s24+$0xCC00] =	vst v4  }
0x48: {  	s22 =	sshll.u32 s22, $0x4;
	p0 =	sne.s32 s21, $0x19;
	[tilespmem:s24+$0xCC80] =	vst v62  }
.Ltmp1:
0x49: {  	s22 =	sadd.s32 s5, s22;
	[tilespmem:s24+$0xCD00] =	vst v63;
	(pc) =	sbr.rel @p0 .LBB2_2-.Ltmp1, $4  }
0x4a: {  	[hbm4b:s22+s1] =	stream.linear.scatter [tilespmem:s19], [sflag:$0x2], $0xC800, $0x38;
	[tilespmem:$0x19200] =	vst v63  }
0x4b: {  	_ =	swait.ge [sflag:s8], $0xC800  }
0x4c: {  	[sflag:s8] =	ssyncset.done $0x0  }
0x4d: {  	[sflag:s8] =	ssyncadd.s32 $0xFFFF3800  }
0x4e: {  	s20 =	sadd.s32 $0x1, s20  }
0x4f: {  	p0 =	sne.s32 s20, s7  }
.Ltmp2:
0x50: {  	_ = 	snop;
	(pc) =	sbr.rel @p0 .LBB2_1-.Ltmp2, $1  }
0x51: {  	_ =	sdelay $0x3  }
0x52: {  	_ =	sfence.sel $0x180000  }
0x53: {  	[bflag:$0x0] =	sbarrier.arrive $0xFFFF  }
0x54: {  	p0 =	sne.s32 s2, $0x0;
	_ =	strace $0x90000047  }
0x55: {  	s0 =	sadd.s32 @!p0 $0x100000, s0;
	[bflag:$0x2] =	sbarrier.arrive $0xFFFF  }
0x56: {  	[sflag:s0] =	ssyncadd.tile.s32 @!p0 $0x1;
	_ =	shalt  }
.Lfunc_end2:
_tile_overlayer_lowered:
.L_overlay_start_2:
0x57: {  	(tag) =	ssettag $0x2  }
0x58: {  	s0 =	rddreg [dreg:$0x0];
	s2 =	stileid.u32  }
0x59: {  	s1 =	rddreg [dreg:$0x1];
	p0 =	sne.s32 s2, $0x0  }
0x5a: {  	s3 =	rddreg [dreg:$0x2];
	[bflag:$0x3] =	sbarrier.arrive $0xFFFF;
	s2 =	simm.s32 @!p0 $0x1C02  }
0x5b: {  	[timem:s3], [sflag:s2] =	dma.local @!p0 [hbm:s0], s1  }
0x5c: {  	s0 =	simm.s32 @!p0 $0x2  }
0x5d: {  	_ =	swait.ge @!p0 [sflag:s0], s1  }
0x5e: {  	s1 =	ssub.s32 @!p0 $0x0, s1;
	[sflag:s0] =	ssyncset.done @!p0 $0x0  }
0x5f: {  	[sflag:s0] =	ssyncadd.s32 @!p0 s1  }
0x60: {  	[bflag:$0x3] =	sbarrier.arrive $0xFFFF  }
0x61: {  	_ =	shalt  }

// kernel: kernel.9.cloned.1.call-start
scs
__scs_entry_jumppad:
0x0: {  	(pc) =	sbr.rel $0x88, $3  }
0x1: {  	(tag) =	ssettag $0x0;
	lr =	simm.s32 $0x1  }
0x2: {  	[smem:$0x3F90] =	sst lr;
	_ =	strace $0xD0000000  }
0x3: {  	_ = 	snop  }
0x4: {  	_ = 	snop  }
0x5: {  	_ = 	snop  }
0x6: {  	_ = 	snop  }
0x7: {  	_ = 	snop  }
__scs_overlays_trampoline_lowered:
0x8: {  	[smem:$0x3F9F] =	sst s0  }
0x9: {  	[smem:$0x3FA0] =	sst s1  }
0xa: {  	[smem:$0x3FA1] =	sst s2  }
0xb: {  	[smem:$0x3FA2] =	sst s3  }
0xc: {  	[smem:$0x3FA3] =	sst s4  }
0xd: {  	[smem:$0x3FA4] =	sst s5  }
0xe: {  	[smem:$0x3FA5] =	sst s6  }
0xf: {  	[smem:$0x3FA6] =	sst s7  }
0x10: {  	[smem:$0x3FA7] =	sst s8  }
0x11: {  	[smem:$0x3FA8] =	sst s9;
	s0 =	simm.s32 @!p0 $0x0  }
0x12: {  	s1 =	sld [smem:$0x3F8E];
	s0 =	simm.s32 @p0 $0x1  }
0x13: {  	[smem:$0x3FA9] =	sst s0;
	s0 =	simm.s32 @!p1 $0x0  }
0x14: {  	s2 =	sld [smem:$0x3F8D];
	s0 =	simm.s32 @p1 $0x1  }
0x15: {  	[smem:$0x3FAA] =	sst s0;
	s0 =	simm.s32 @!p2 $0x0  }
0x16: {  	s3 =	sld [smem:$0x3FDB];
	s0 =	simm.s32 @p2 $0x1  }
0x17: {  	s4 =	simm.s32 $0x1BF5;
	[smem:$0x3FAC] =	sst s0  }
0x18: {  	s0 =	sld [smem:$0x3F8F];
	_ =	swait.ge [sflag:s4], $0x0  }
0x19: {  	s7 =	sld [smem:$0x3F90]  }
0x1a: {  	s8 =	sadd.s32 $0xFFFFE003, lr  }
0x1b: {  	s9 =	sadd.s32 $0xFFFFFEF7, lr;
	s5 =	simm.s32 $0xFFFFFFFF;
	p2 =	slt.u32 s8, $0xFFFFF086  }
0x1c: {  	p1 =	slt.u32 s9, $0xF7A;
	s5 =	simm.s32 @!p2 $0x0  }
0x1d: {  	s5 =	simm.s32 @p1 $0x1;
	p0 =	seq.s32 s7, s2  }
0x1e: {  	s7 =	smul.u32 @!p0 $0xF7A, s2;
	p2 =	seq.s32 @!p0 s5, $0x0  }
0x1f: {  	s9 =	smul.u32 $0xF7A, s1;
	s8 =	simm.s32 @!p0 $0x1BF5;
	p2 =	por !p2, p0  }
0x20: {  	[sflag:s8] =	ssyncset.s32 @!p0 $0xFFFFF086;
	s6 =	sadd.s32 @!p0 s3, s7;
	s7 =	simm.s32 @!p0 $0x108  }
0x21: {  	s3 =	sadd.s32 s3, s9;
	s6 =	sadd.s32 @!p0 $0x88, s6;
	s7 =	simm.s32 @p2 $0x1082  }
0x22: {  	[simem:s7], [sflag:s8] =	dma.local @!p0 [hbm:s6], $0xF7A  }
0x23: {  	s9 =	sor.u32 $0xD0000000, s2;
	s6 =	simm.s32 $0x108;
	_ =	swait.ge @!p0 [sflag:s8], $0x0  }
0x24: {  	s3 =	sadd.s32 $0x88, s3;
	s6 =	simm.s32 @!p1 $0x1082;
	[sflag:s4] =	ssyncset.s32 $0xFFFFF086  }
0x25: {  	[simem:s6], [sflag:s4] =	dma.local [hbm:s3], $0xF7A  }
0x26: {  	[smem:$0x3F90] =	sst s1;
	(tag) =	ssettag s2;
	_ =	strace s9  }
0x27: {  	s1 =	sld [smem:$0x3FA0]  }
0x28: {  	s2 =	sld [smem:$0x3FA1]  }
0x29: {  	s4 =	sld [smem:$0x3FA3]  }
0x2a: {  	p0 =	seq.s32 s5, $0x0;
	s5 =	sld [smem:$0x3FA4]  }
0x2b: {  	s6 =	sld [smem:$0x3FA5]  }
0x2c: {  	s7 =	sld [smem:$0x3FA6]  }
0x2d: {  	s3 =	simm.s32 $0x108;
	s8 =	sld [smem:$0x3FA7]  }
0x2e: {  	s3 =	simm.s32 @!p0 $0x1082;
	s9 =	sld [smem:$0x3FA8]  }
0x2f: {  	lr =	sadd.s32 s0, s3;
	s0 =	sld [smem:$0x3F9F]  }
0x30: {  	s3 =	sld [smem:$0x3FA2]  }
0x31: {  	[smem:$0x3FAB] =	sst s10  }
0x32: {  	s10 =	sld [smem:$0x3FA9];
	_ =	sdelay $0x3  }
0x33: {  	p0 =	seq.s32 s10, $0x1;
	s10 =	sld [smem:$0x3FAB];
	_ =	sdelay $0x3  }
0x34: {  	[smem:$0x3FAB] =	sst s10  }
0x35: {  	s10 =	sld [smem:$0x3FAA];
	_ =	sdelay $0x3  }
0x36: {  	p1 =	seq.s32 s10, $0x1;
	s10 =	sld [smem:$0x3FAB];
	_ =	sdelay $0x3  }
0x37: {  	[smem:$0x3FAB] =	sst s10  }
0x38: {  	s10 =	sld [smem:$0x3FAC]  }
0x39: {  	_ = 	snop;
	(pc) =	sbr.ind lr, $3  }
0x3a: {  	_ = 	snop  }
0x3b: {  	_ = 	snop  }
0x3c: {  	p2 =	seq.s32 s10, $0x1;
	s10 =	sld [smem:$0x3FAB]  }
0x3d: {  	_ =	shalt  }
0x3e: {  	_ =	shalt  }
0x3f: {  	_ =	shalt  }
0x40: {  	_ =	shalt  }
0x41: {  	_ =	shalt  }
0x42: {  	_ =	shalt  }
0x43: {  	_ =	shalt  }
0x44: {  	_ =	shalt  }
0x45: {  	_ =	shalt  }
0x46: {  	_ =	shalt  }
0x47: {  	_ =	shalt  }
0x48: {  	_ =	shalt  }
0x49: {  	_ =	shalt  }
0x4a: {  	_ =	shalt  }
0x4b: {  	_ =	shalt  }
0x4c: {  	_ =	shalt  }
0x4d: {  	_ =	shalt  }
0x4e: {  	_ =	shalt  }
0x4f: {  	_ =	shalt  }
0x50: {  	_ =	shalt  }
0x51: {  	_ =	shalt  }
0x52: {  	_ =	shalt  }
0x53: {  	_ =	shalt  }
0x54: {  	_ =	shalt  }
0x55: {  	_ =	shalt  }
0x56: {  	_ =	shalt  }
0x57: {  	_ =	shalt  }
0x58: {  	_ =	shalt  }
0x59: {  	_ =	shalt  }
0x5a: {  	_ =	shalt  }
0x5b: {  	_ =	shalt  }
0x5c: {  	_ =	shalt  }
0x5d: {  	_ =	shalt  }
0x5e: {  	_ =	shalt  }
0x5f: {  	_ =	shalt  }
0x60: {  	_ =	shalt  }
0x61: {  	_ =	shalt  }
0x62: {  	_ =	shalt  }
0x63: {  	_ =	shalt  }
0x64: {  	_ =	shalt  }
0x65: {  	_ =	shalt  }
0x66: {  	_ =	shalt  }
0x67: {  	_ =	shalt  }
0x68: {  	_ =	shalt  }
0x69: {  	_ =	shalt  }
0x6a: {  	_ =	shalt  }
0x6b: {  	_ =	shalt  }
0x6c: {  	_ =	shalt  }
0x6d: {  	_ =	shalt  }
0x6e: {  	_ =	shalt  }
0x6f: {  	_ =	shalt  }
0x70: {  	_ =	shalt  }
0x71: {  	_ =	shalt  }
0x72: {  	_ =	shalt  }
0x73: {  	_ =	shalt  }
0x74: {  	_ =	shalt  }
0x75: {  	_ =	shalt  }
0x76: {  	_ =	shalt  }
0x77: {  	_ =	shalt  }
0x78: {  	_ =	shalt  }
0x79: {  	_ =	shalt  }
0x7a: {  	_ =	shalt  }
0x7b: {  	_ =	shalt  }
0x7c: {  	_ =	shalt  }
0x7d: {  	_ =	shalt  }
0x7e: {  	_ =	shalt  }
0x7f: {  	_ =	shalt  }
0x80: {  	_ =	shalt  }
0x81: {  	_ =	shalt  }
0x82: {  	_ =	shalt  }
0x83: {  	_ =	shalt  }
0x84: {  	_ =	shalt  }
0x85: {  	_ =	shalt  }
0x86: {  	_ =	shalt  }
0x87: {  	_ =	shalt  }
.Lfunc_end0:
.L_simem_size_0:
called_computation.1_lowered:
.L_overlay_start_0:
0x88: {  	s2 =	sld [smem:$0x3FD9]  }
0x89: {  	s3 =	sld [smem:$0x3FFE];
	_ =	sdelay $0x1  }
0x8a: {  	s1 =	srdreg.scid  }
0x8b: {  	s0 =	sand.u32 $0x1, s1  }
0x8c: {  	s16 =	sshll.u32 s0, $0xA;
	s2 =	sadd.s32 s3, s2  }
0x8d: {  	s2 =	sadd.s32 s2, s16  }
0x8e: {  	[smem:$0x3FB7] =	sst s2  }
0x8f: {  	_ = 	snop  }
0x90: {  	(tm) =	ssettm $0x1  }
0x91: {  	s17 =	sld [smem:$0x3FFB];
	_ =	sdelay $0x3  }
0x92: {  	_ =	strace s17  }
0x93: {  	s2 =	sld [smem:$0x3FFC];
	_ =	sdelay $0x3  }
0x94: {  	_ =	strace s2  }
0x95: {  	s2 =	sld [smem:$0x3FFD];
	_ =	sdelay $0x3  }
0x96: {  	_ =	strace s2  }
0x97: {  	_ =	strace $0x8FFFFFFF  }
0x98: {  	s18 =	sld [smem:$0x3FDB];
	_ =	sdelay $0x1  }
0x99: {  	s19 =	simm.s32 $_scs_section_size  }
0x9a: {  	s4 =	simm.s32 $_size__tile_overlayer_lowered;
	s5 =	simm.s32 $_tile_overlayer_lowered  }
0x9b: {  	s22 =	simm.s32 $0x1BFF;
	s21 =	sshll.u32 s5, $0x1;
	s2 =	sadd.s32 s19, s18  }
0x9c: {  	s6 =	simm.s32 $0x0;
	s20 =	sshll.u32 s4, $0x1;
	s4 =	sadd.s32 s21, s2  }
0x9d: {  	[timem:s6], [sflag:s22] =	dma.local [hbm:s4], s20  }
0x9e: {  	_ =	swait.ge [sflag:s22], s20  }
0x9f: {  	s3 =	ssub.s32 $0x0, s20;
	[sflag:s22] =	ssyncset.done $0x0  }
0xa0: {  	[sflag:s22] =	ssyncadd.s32 s3;
	_ =	sdelay $0x1  }
0xa1: {  	s23 =	simm.s32 $0x1B8B  }
0xa2: {  	_ =	swait.ge [sflag:s23], $0x1  }
0xa3: {  	[sflag:s23] =	ssyncset.done $0x0  }
0xa4: {  	s25 =	simm.s32 $0x1B8E;
	s24 =	sld [smem:$0x3FFE];
	[sflag:s23] =	ssyncadd.s32 $0xFFFFFFFF  }
0xa5: {  	s26 =	simm.s32 $execute0_lowered;
	[smem:$0x3FD2] =	sst s25  }
0xa6: {  	s4 =	sshll.u32 s26, $0x1;
	_ =	strace $0x80000049;
	[dreg:$0x1] =	wrdreg $0xFFFFFFFF  }
0xa7: {  	s28 =	simm.s32 $_size_execute0_lowered;
	s2 =	sadd.s32 s2, s4;
	[dreg:$0x0] =	wrdreg $0x0  }
0xa8: {  	s4 =	sshll.u32 s28, $0x1;
	[dreg:$0x2] =	wrdreg s2  }
0xa9: {  	[dreg:$0x3] =	wrdreg s4  }
0xaa: {  	[dreg:$0x4] =	wrdreg $0xC0  }
0xab: {  	_ =	task [dreg:s6], $0x5FFFF  }
0xac: {  	[dreg:$0x1] =	wrdreg $0xFFFFFFFF  }
0xad: {  	[dreg:$0x0] =	wrdreg $0x60  }
0xae: {  	[dreg:$0x2] =	wrdreg s24  }
0xaf: {  	[dreg:$0x3] =	wrdreg $0x9  }
0xb0: {  	_ =	task.clear_ibuf [dreg:s6], $0x4FFFF;
	_ =	strace $0x90000049  }
0xb1: {  	s29 =	simm.s32 $0x9;
	_ =	strace $0x8000004B  }
0xb2: {  	_ =	swait.ge [sflag:s29], $0x1  }
0xb3: {  	[sflag:s29] =	ssyncadd.s32 $0xFFFFFFFF  }
0xb4: {  	_ =	strace $0x9000004B  }
0xb5: {  	_ =	sfence  }
0xb6: {  	s30 =	sld [smem:$0x0];
	_ =	sdelay $0x2  }
0xb7: {  	s31 =	sshll.u32 s1, $0xD;
	s1 =	sshrl.u32 s1, $0x2  }
0xb8: {  	s3 =	sand.u32 $0x4000, s31;
	s1 =	sadd.s32 s1, s30  }
0xb9: {  	s0 =	sor.u32 s3, s0;
	s1 =	sshll.u32 s1, $0x11  }
0xba: {  	s0 =	sor.u32 s1, s0  }
0xbb: {  	s0 =	sadd.s32 $0x8F2B, s0  }
0xbc: {  	[sflag:s0] =	ssyncadd.remote.s32 $0x1  }
0xbd: {  	_ =	sfence.sel $0xFFFF  }
0xbe: {  	[dreg:$0x0] =	wrdreg $0xFFFFFFFF;
	(pc) =	sbr.abs _section_cstart, $3  }
0xbf: {  	[dreg:$0x1] =	wrdreg $0xFFFFFFFF  }
0xc0: {  	_ =	task.clear_ibuf [dreg:s6], $0x2FFFF;
	_ =	strace $0x9FFFFFFF  }
0xc1: {  	(tm) =	ssettm $0x7FFFFFFF  }
tec
execute0_lowered:
.L_overlay_start_1:
0x0: {  	(tag) =	ssettag $0x1  }
0x1: {  	s0 =	rddreg [dreg:$0x0];
	s2 =	simm.s32 $0x0;
	s1 =	srdreg.scid  }
0x2: {  	s4 =	stileid.u32;
	s9 =	simm.s32 $0x200;
	s10 =	simm.s32 $0x1  }
0x3: {  	s11 =	simm.s32 $0x1B00;
	s15 =	simm.s32 $0x0;
	s1 =	sand.u32 $0x1, s1  }
0x4: {  	[smem:$0x7FF] =	sst s2;
	s3 =	sadd.s32 $0x3CE00, s0;
	s6 =	ssub.s32 $0x2, s1  }
0x5: {  	s5 =	sshll.u32 s4, $0x1;
	s4 =	sadd.s32 $0x33000, s0;
	s7 =	sshrl.u32 s6, $0x1  }
0x6: {  	_ =	strace $0x8000004A;
	s1 =	sor.u32 s1, s5;
	s31 =	ssub.s32 s6, s7  }
0x7: {  	s5 =	sadd.s32 $0xD9200, s0;
	s6 =	smul.u32 $0x2710, s1;
	s0 =	smax.u32 s31, $0x1  }
0x8: {  	v0 =	vimm.f32 $0.0e+00;
	s7 =	smul.u32 $0x29810, s1;
	s1 =	simm.s32 $0x0;
	[dreg:$0x2] =	wrdreg s0  }
.LBB2_1:
0x9: {  	[dreg:$0x3] =	wrdreg s1;
	p1 =	por $0x1, $0x1;
	s13 =	simm.s32 $0x0  }
.LBB2_2:
0xa: {  	p0 =	por p1, p1;
	s0 =	simm.s32 $0x0;
	s1 =	simm.s32 $0x200  }
.LBB2_3:
0xb: {  	p1 =	sne.s32 s1, $0x52E00;
	[tilespmem:s0+$0x1B70] =	vst v0  }
0xc: {  	[tilespmem:s0+$0x1B00] =	vst v0  }
0xd: {  	[tilespmem:s0+$0x1B10] =	vst v0  }
.Ltmp0:
0xe: {  	[tilespmem:s0+$0x1B20] =	vst v0;
	(pc) =	sbr.rel @p1 .LBB2_3-.Ltmp0, $4  }
0xf: {  	[tilespmem:s0+$0x1B30] =	vst v0  }
0x10: {  	[tilespmem:s0+$0x1B40] =	vst v0  }
0x11: {  	[tilespmem:s0+$0x1B50] =	vst v0  }
0x12: {  	[tilespmem:s0+$0x1B60] =	vst v0;
	s0 =	sshra.s32 s1, $0x2;
	s1 =	sadd.s32 $0x200, s1  }
0x13: {  	[tilespmem:s0+$0x1B70] =	vst v0  }
0x14: {  	[tilespmem:s0+$0x1B00] =	vst v0  }
0x15: {  	[tilespmem:s0+$0x1B10] =	vst v0  }
0x16: {  	[tilespmem:s0+$0x1B20] =	vst v0  }
0x17: {  	[tilespmem:s0+$0x1B30] =	vst v0  }
0x18: {  	[tilespmem:s0+$0x1B40] =	vst v0  }
0x19: {  	[tilespmem:s0+$0x1B50] =	vst v0  }
0x1a: {  	[tilespmem:s0+$0x1B60] =	vst v0  }
0x1b: {  	s14 =	smul.u32 $0x1388, s13;
	s16 =	simm.s32 $0x0;
	[tilespmem:$0x166F8] =	vst v0  }
.LBB2_5:
0x1c: {  	s0 =	smul.u32 $0x190, s16;
	_ =	sdelay $0x1  }
0x1d: {  	s0 =	sadd.s32 s6, s0  }
0x1e: {  	s1 =	sshll.u32 s0, $0x1  }
0x1f: {  	s1 =	sadd.s32 s3, s1  }
0x20: {  	[tilespmem:s9], [sflag:$0x1] =	stream.linear.gather [hbm4b:s1+s15], $0x1900, $0x38;
	[tilespmem:$0x16780] =	vst v63  }
0x21: {  	_ =	swait.ge [sflag:s10], $0x1900  }
0x22: {  	s0 =	sshrl.u32 s0, $0x3;
	[sflag:s10] =	ssyncset.done $0x0  }
0x23: {  	s0 =	sadd.s32 s4, s0;
	[sflag:s10] =	ssyncadd.s32 $0xFFFFE700  }
0x24: {  	[tilespmem:s15], [sflag:$0x1] =	stream.linear.gather [hbm4b:s0+s15], $0x190, $0x38;
	[tilespmem:$0x16780] =	vst v63  }
0x25: {  	_ =	swait.ge [sflag:s10], $0x190  }
0x26: {  	[sflag:s10] =	ssyncset.done $0x0  }
0x27: {  	s29 =	simm.s32 $0x0;
	[sflag:s10] =	ssyncadd.s32 $0xFFFFFE70  }
0x28: {  	v1 =	vld [tilespmem:s29+$0x0];
	_ =	sdelay $0x4  }
0x29: {  	(v2sf) =	vpush v1, $0x0;
	_ =	sdelay $0x6  }
0x2a: {  	(v2sf) =	vpush v1, $0x1;
	_ =	sdelay $0x6  }
0x2b: {  	(v2sf) =	vpush v1, $0x2  }
0x2c: {  	s30 =	spop (v2sf)  }
0x2d: {  	s0 =	ssub.s32 s30, s14  }
0x2e: {  	p2 =	sgt.u32 s0, $0x1387  }
0x2f: {  	s0 =	smul.u32 @!p2 $0x11, s0;
	_ =	sdelay $0x1  }
0x30: {  	s1 =	sadd.s32 @!p2 $0x10, s0  }
0x31: {  	(v2sf) =	vpush v1, $0x3;
	v2 =	vmov @!p2 s1  }
0x32: {  	s17 =	simm.s32 $0x280;
	s31 =	spop (v2sf);
	v3 =	vlaneseq.u32 @!p2;
	v2 =	vand.u32 @!p2 $0x7FFFF, v2  }
0x33: {  	v4 =	vld @!p2 [tilespmem:s17+$0xFFFFFF80];
	v3 =	vadd.s32 @!p2 s0, v3;
	s1 =	ssub.s32 s31, s14;
	v2 =	vbroadcast @!p2 v2, $0x0  }
0x34: {  	p1 =	sgt.u32 s1, $0x1387  }
0x35: {  	s0 =	smul.u32 @!p1 $0x11, s1;
	_ =	sdelay $0x1  }
0x36: {  	s1 =	simm.s32 @!p2 $0x1B00;
	s18 =	sadd.s32 @!p1 $0x10, s0  }
0x37: {  	(v2sf) =	vpush v1, $0x4;
	[tilespmem:v3+s1+$0x0] =	vst.idx.add.f32.msk @!p2 $0xffff, v4;
	v3 =	vimm.f32 @!p2 $1.000000000e+00;
	v4 =	vmov @!p1 s18  }
0x38: {  	s8 =	spop (v2sf);
	[tilespmem:v2+s1+$0x0] =	vst.idx.add.f32.msk @!p2 $0x1, v3;
	v2 =	vlaneseq.u32 @!p1;
	v3 =	vand.u32 @!p1 $0x7FFFF, v4  }
0x39: {  	s1 =	ssub.s32 s8, s14;
	v2 =	vadd.s32 @!p1 s0, v2;
	v4 =	vld @!p1 [tilespmem:s17+$0xFFFFFF90];
	v3 =	vbroadcast @!p1 v3, $0x0  }
0x3a: {  	p2 =	sgt.u32 s1, $0x1387  }
0x3b: {  	s0 =	smul.u32 @!p2 $0x11, s1;
	_ =	sdelay $0x1  }
0x3c: {  	s1 =	simm.s32 @!p1 $0x1B00;
	s18 =	sadd.s32 @!p2 $0x10, s0  }
0x3d: {  	(v2sf) =	vpush v1, $0x5;
	[tilespmem:v2+s1+$0x0] =	vst.idx.add.f32.msk @!p1 $0xffff, v4;
	v2 =	vimm.f32 @!p1 $1.000000000e+00;
	v4 =	vmov @!p2 s18  }
0x3e: {  	s12 =	spop (v2sf);
	[tilespmem:v3+s1+$0x0] =	vst.idx.add.f32.msk @!p1 $0x1, v2;
	v2 =	vlaneseq.u32 @!p2;
	v3 =	vand.u32 @!p2 $0x7FFFF, v4  }
0x3f: {  	s1 =	ssub.s32 s12, s14;
	v2 =	vadd.s32 @!p2 s0, v2;
	v4 =	vld @!p2 [tilespmem:s17+$0xFFFFFFA0];
	v3 =	vbroadcast @!p2 v3, $0x0  }
0x40: {  	p1 =	sgt.u32 s1, $0x1387  }
0x41: {  	s0 =	smul.u32 @!p1 $0x11, s1;
	_ =	sdelay $0x1  }
0x42: {  	s1 =	simm.s32 @!p2 $0x1B00;
	s18 =	sadd.s32 @!p1 $0x10, s0  }
0x43: {  	(v2sf) =	vpush v1, $0x6;
	[tilespmem:v2+s1+$0x0] =	vst.idx.add.f32.msk @!p2 $0xffff, v4;
	v2 =	vimm.f32 @!p2 $1.000000000e+00;
	v4 =	vmov @!p1 s18  }
0x44: {  	s19 =	spop (v2sf);
	[tilespmem:v3+s1+$0x0] =	vst.idx.add.f32.msk @!p2 $0x1, v2;
	v2 =	vlaneseq.u32 @!p1;
	v3 =	vand.u32 @!p1 $0x7FFFF, v4  }
0x45: {  	s1 =	ssub.s32 s19, s14;
	v2 =	vadd.s32 @!p1 s0, v2;
	v4 =	vld @!p1 [tilespmem:s17+$0xFFFFFFB0];
	v3 =	vbroadcast @!p1 v3, $0x0  }
0x46: {  	p2 =	sgt.u32 s1, $0x1387  }
0x47: {  	s0 =	smul.u32 @!p2 $0x11, s1;
	_ =	sdelay $0x1  }
0x48: {  	s1 =	simm.s32 @!p1 $0x1B00;
	s18 =	sadd.s32 @!p2 $0x10, s0  }
0x49: {  	(v2sf) =	vpush v1, $0x7;
	[tilespmem:v2+s1+$0x0] =	vst.idx.add.f32.msk @!p1 $0xffff, v4;
	v2 =	vimm.f32 @!p1 $1.000000000e+00;
	v4 =	vmov @!p2 s18  }
0x4a: {  	s20 =	spop (v2sf);
	[tilespmem:v3+s1+$0x0] =	vst.idx.add.f32.msk @!p1 $0x1, v2;
	v2 =	vlaneseq.u32 @!p2;
	v3 =	vand.u32 @!p2 $0x7FFFF, v4  }
0x4b: {  	s1 =	ssub.s32 s20, s14;
	v2 =	vadd.s32 @!p2 s0, v2;
	v4 =	vld @!p2 [tilespmem:s17+$0xFFFFFFC0];
	v3 =	vbroadcast @!p2 v3, $0x0  }
0x4c: {  	p1 =	sgt.u32 s1, $0x1387  }
0x4d: {  	s0 =	smul.u32 @!p1 $0x11, s1;
	_ =	sdelay $0x1  }
0x4e: {  	s1 =	simm.s32 @!p2 $0x1B00;
	s18 =	sadd.s32 @!p1 $0x10, s0  }
0x4f: {  	(v2sf) =	vpush v1, $0x8;
	[tilespmem:v2+s1+$0x0] =	vst.idx.add.f32.msk @!p2 $0xffff, v4;
	v2 =	vimm.f32 @!p2 $1.000000000e+00;
	v4 =	vmov @!p1 s18  }
0x50: {  	s21 =	spop (v2sf);
	[tilespmem:v3+s1+$0x0] =	vst.idx.add.f32.msk @!p2 $0x1, v2;
	v2 =	vlaneseq.u32 @!p1;
	v3 =	vand.u32 @!p1 $0x7FFFF, v4  }
0x51: {  	s1 =	ssub.s32 s21, s14;
	v2 =	vadd.s32 @!p1 s0, v2;
	v4 =	vld @!p1 [tilespmem:s17+$0xFFFFFFD0];
	v3 =	vbroadcast @!p1 v3, $0x0  }
0x52: {  	p2 =	sgt.u32 s1, $0x1387  }
0x53: {  	s0 =	smul.u32 @!p2 $0x11, s1;
	_ =	sdelay $0x1  }
0x54: {  	s1 =	simm.s32 @!p1 $0x1B00;
	s18 =	sadd.s32 @!p2 $0x10, s0  }
0x55: {  	(v2sf) =	vpush v1, $0x9;
	[tilespmem:v2+s1+$0x0] =	vst.idx.add.f32.msk @!p1 $0xffff, v4;
	v2 =	vimm.f32 @!p1 $1.000000000e+00;
	v4 =	vmov @!p2 s18  }
0x56: {  	s22 =	spop (v2sf);
	[tilespmem:v3+s1+$0x0] =	vst.idx.add.f32.msk @!p1 $0x1, v2;
	v2 =	vlaneseq.u32 @!p2;
	v3 =	vand.u32 @!p2 $0x7FFFF, v4  }
0x57: {  	s1 =	ssub.s32 s22, s14;
	v2 =	vadd.s32 @!p2 s0, v2;
	v4 =	vld @!p2 [tilespmem:s17+$0xFFFFFFE0];
	v3 =	vbroadcast @!p2 v3, $0x0  }
0x58: {  	p1 =	sgt.u32 s1, $0x1387  }
0x59: {  	s0 =	smul.u32 @!p1 $0x11, s1;
	_ =	sdelay $0x1  }
0x5a: {  	s1 =	simm.s32 @!p2 $0x1B00;
	s18 =	sadd.s32 @!p1 $0x10, s0  }
0x5b: {  	(v2sf) =	vpush v1, $0xA;
	[tilespmem:v2+s1+$0x0] =	vst.idx.add.f32.msk @!p2 $0xffff, v4;
	v2 =	vimm.f32 @!p2 $1.000000000e+00;
	v4 =	vmov @!p1 s18  }
0x5c: {  	s23 =	spop (v2sf);
	[tilespmem:v3+s1+$0x0] =	vst.idx.add.f32.msk @!p2 $0x1, v2;
	v2 =	vlaneseq.u32 @!p1;
	v3 =	vand.u32 @!p1 $0x7FFFF, v4  }
0x5d: {  	s1 =	ssub.s32 s23, s14;
	v2 =	vadd.s32 @!p1 s0, v2;
	v4 =	vld @!p1 [tilespmem:s17+$0xFFFFFFF0];
	v3 =	vbroadcast @!p1 v3, $0x0  }
0x5e: {  	p2 =	sgt.u32 s1, $0x1387  }
0x5f: {  	s0 =	smul.u32 @!p2 $0x11, s1;
	_ =	sdelay $0x1  }
0x60: {  	s1 =	simm.s32 @!p1 $0x1B00;
	s18 =	sadd.s32 @!p2 $0x10, s0  }
0x61: {  	(v2sf) =	vpush v1, $0xB;
	[tilespmem:v2+s1+$0x0] =	vst.idx.add.f32.msk @!p1 $0xffff, v4;
	v2 =	vimm.f32 @!p1 $1.000000000e+00;
	v4 =	vmov @!p2 s18  }
0x62: {  	s24 =	spop (v2sf);
	[tilespmem:v3+s1+$0x0] =	vst.idx.add.f32.msk @!p1 $0x1, v2;
	v2 =	vlaneseq.u32 @!p2;
	v3 =	vand.u32 @!p2 $0x7FFFF, v4  }
0x63: {  	s1 =	ssub.s32 s24, s14;
	v2 =	vadd.s32 @!p2 s0, v2;
	v4 =	vld @!p2 [tilespmem:s17+$0x0];
	v3 =	vbroadcast @!p2 v3, $0x0  }
0x64: {  	p1 =	sgt.u32 s1, $0x1387  }
0x65: {  	s0 =	smul.u32 @!p1 $0x11, s1;
	_ =	sdelay $0x1  }
0x66: {  	s1 =	simm.s32 @!p2 $0x1B00;
	s18 =	sadd.s32 @!p1 $0x10, s0  }
0x67: {  	(v2sf) =	vpush v1, $0xC;
	[tilespmem:v2+s1+$0x0] =	vst.idx.add.f32.msk @!p2 $0xffff, v4;
	v2 =	vimm.f32 @!p2 $1.000000000e+00;
	v4 =	vmov @!p1 s18  }
0x68: {  	s25 =	spop (v2sf);
	[tilespmem:v3+s1+$0x0] =	vst.idx.add.f32.msk @!p2 $0x1, v2;
	v2 =	vlaneseq.u32 @!p1;
	v3 =	vand.u32 @!p1 $0x7FFFF, v4  }
0x69: {  	s1 =	ssub.s32 s25, s14;
	v2 =	vadd.s32 @!p1 s0, v2;
	v4 =	vld @!p1 [tilespmem:s17+$0x10];
	v3 =	vbroadcast @!p1 v3, $0x0  }
0x6a: {  	p2 =	sgt.u32 s1, $0x1387  }
0x6b: {  	s0 =	smul.u32 @!p2 $0x11, s1;
	_ =	sdelay $0x1  }
0x6c: {  	s1 =	simm.s32 @!p1 $0x1B00;
	s18 =	sadd.s32 @!p2 $0x10, s0  }
0x6d: {  	(v2sf) =	vpush v1, $0xD;
	[tilespmem:v2+s1+$0x0] =	vst.idx.add.f32.msk @!p1 $0xffff, v4;
	v2 =	vimm.f32 @!p1 $1.000000000e+00;
	v4 =	vmov @!p2 s18  }
0x6e: {  	s26 =	spop (v2sf);
	[tilespmem:v3+s1+$0x0] =	vst.idx.add.f32.msk @!p1 $0x1, v2;
	v2 =	vlaneseq.u32 @!p2;
	v3 =	vand.u32 @!p2 $0x7FFFF, v4  }
0x6f: {  	s1 =	ssub.s32 s26, s14;
	v2 =	vadd.s32 @!p2 s0, v2;
	v4 =	vld @!p2 [tilespmem:s17+$0x20];
	v3 =	vbroadcast @!p2 v3, $0x0  }
0x70: {  	p3 =	sgt.u32 s1, $0x1387  }
0x71: {  	s0 =	smul.u32 @!p3 $0x11, s1;
	_ =	sdelay $0x1  }
0x72: {  	s1 =	simm.s32 @!p2 $0x1B00;
	s18 =	sadd.s32 @!p3 $0x10, s0  }
0x73: {  	(v2sf) =	vpush v1, $0xE;
	[tilespmem:v2+s1+$0x0] =	vst.idx.add.f32.msk @!p2 $0xffff, v4;
	v2 =	vimm.f32 @!p2 $1.000000000e+00;
	v4 =	vmov @!p3 s18  }
0x74: {  	s28 =	spop (v2sf);
	[tilespmem:v3+s1+$0x0] =	vst.idx.add.f32.msk @!p2 $0x1, v2;
	v2 =	vlaneseq.u32 @!p3;
	v3 =	vand.u32 @!p3 $0x7FFFF, v4  }
0x75: {  	s1 =	ssub.s32 s28, s14;
	v2 =	vadd.s32 @!p3 s0, v2;
	v4 =	vld @!p3 [tilespmem:s17+$0x30];
	v3 =	vbroadcast @!p3 v3, $0x0  }
0x76: {  	p1 =	sgt.u32 s1, $0x1387  }
0x77: {  	s0 =	smul.u32 @!p1 $0x11, s1;
	_ =	sdelay $0x1  }
0x78: {  	s1 =	simm.s32 @!p3 $0x1B00;
	s18 =	sadd.s32 @!p1 $0x10, s0  }
0x79: {  	[tilespmem:v2+s1+$0x0] =	vst.idx.add.f32.msk @!p3 $0xffff, v4;
	v2 =	vimm.f32 @!p3 $1.000000000e+00;
	v4 =	vmov @!p1 s18  }
0x7a: {  	s29 =	spop (v2sf);
	[tilespmem:v3+s1+$0x0] =	vst.idx.add.f32.msk @!p3 $0x1, v2;
	v2 =	vlaneseq.u32 @!p1;
	v3 =	vand.u32 @!p1 $0x7FFFF, v4  }
0x7b: {  	(v2sf) =	vpush v1, $0xF;
	s1 =	ssub.s32 s29, s14;
	v2 =	vadd.s32 @!p1 s0, v2;
	v4 =	vld @!p1 [tilespmem:s17+$0x40];
	v3 =	vbroadcast @!p1 v3, $0x0  }
0x7c: {  	p2 =	sgt.u32 s1, $0x1387  }
0x7d: {  	s0 =	smul.u32 @!p2 $0x11, s1;
	_ =	sdelay $0x1  }
0x7e: {  	s1 =	simm.s32 @!p1 $0x1B00;
	s18 =	sadd.s32 @!p2 $0x10, s0  }
0x7f: {  	v1 =	vimm.f32 @!p1 $1.000000000e+00;
	[tilespmem:v2+s1+$0x0] =	vst.idx.add.f32.msk @!p1 $0xffff, v4;
	v2 =	vmov @!p2 s18  }
0x80: {  	s30 =	spop (v2sf);
	v4 =	vlaneseq.u32 @!p2;
	[tilespmem:v3+s1+$0x0] =	vst.idx.add.f32.msk @!p1 $0x1, v1;
	v1 =	vand.u32 @!p2 $0x7FFFF, v2  }
0x81: {  	s1 =	ssub.s32 s30, s14;
	v2 =	vadd.s32 @!p2 s0, v4;
	v3 =	vld @!p2 [tilespmem:s17+$0x50];
	v1 =	vbroadcast @!p2 v1, $0x0  }
0x82: {  	p1 =	sgt.u32 s1, $0x1387  }
0x83: {  	s0 =	smul.u32 @!p1 $0x11, s1;
	_ =	sdelay $0x1  }
0x84: {  	s1 =	simm.s32 @!p2 $0x1B00;
	s18 =	sadd.s32 @!p1 $0x10, s0  }
0x85: {  	[tilespmem:v2+s1+$0x0] =	vst.idx.add.f32.msk @!p2 $0xffff, v3;
	v2 =	vimm.f32 @!p2 $1.000000000e+00;
	v3 =	vmov @!p1 s18  }
0x86: {  	v4 =	vlaneseq.u32 @!p1;
	[tilespmem:v1+s1+$0x0] =	vst.idx.add.f32.msk @!p2 $0x1, v2;
	v1 =	vand.u32 @!p1 $0x7FFFF, v3  }
0x87: {  	v2 =	vadd.s32 @!p1 s0, v4;
	v3 =	vld @!p1 [tilespmem:s17+$0x60];
	v1 =	vbroadcast @!p1 v1, $0x0  }
0x88: {  	s31 =	spop (v2sf)  }
0x89: {  	s0 =	ssub.s32 s31, s14  }
0x8a: {  	p2 =	sgt.u32 s0, $0x1387  }
0x8b: {  	s1 =	simm.s32 @!p1 $0x1B00;
	s0 =	smul.u32 @!p2 $0x11, s0  }
0x8c: {  	[tilespmem:v2+s1+$0x0] =	vst.idx.add.f32.msk @!p1 $0xffff, v3;
	v2 =	vimm.f32 @!p1 $1.000000000e+00;
	v3 =	vlaneseq.u32 @!p2  }
0x8d: {  	[tilespmem:v1+s1+$0x0] =	vst.idx.add.f32.msk @!p1 $0x1, v2;
	v2 =	vadd.s32 @!p2 s0, v3;
	s0 =	sadd.s32 @!p2 $0x10, s0  }
0x8e: {  	v1 =	vmov @!p2 s0  }
0x8f: {  	v3 =	vld @!p2 [tilespmem:s17+$0x70];
	v1 =	vand.u32 @!p2 $0x7FFFF, v1  }
0x90: {  	v1 =	vbroadcast @!p2 v1, $0x0;
	_ =	sdelay $0x2  }
0x91: {  	s0 =	simm.s32 @!p2 $0x1B00  }
0x92: {  	s19 =	simm.s32 $0x40;
	s18 =	simm.s32 $0x80;
	[tilespmem:v2+s0+$0x0] =	vst.idx.add.f32.msk @!p2 $0xffff, v3;
	v2 =	vimm.f32 @!p2 $1.000000000e+00  }
.LBB2_6:
0x93: {  	s1 =	sshra.s32 s19, $0x2  }
0x94: {  	[tilespmem:v1+s0+$0x0] =	vst.idx.add.f32.msk @!p2 $0x1, v2;
	s17 =	sadd.s32 $0x100, s17;
	s19 =	smov.u32 s18;
	s18 =	sadd.s32 $0x40, s18  }
0x95: {  	p1 =	sne.s32 s18, $0x640;
	v1 =	vld [tilespmem:s1+$0x0];
	_ =	sdelay $0x4  }
0x96: {  	(v2sf) =	vpush v1, $0x0  }
0x97: {  	(v2sf) =	vpush v1, $0x1  }
0x98: {  	(v2sf) =	vpush v1, $0x2  }
0x99: {  	(v2sf) =	vpush v1, $0x3  }
0x9a: {  	(v2sf) =	vpush v1, $0x4  }
0x9b: {  	(v2sf) =	vpush v1, $0x5  }
0x9c: {  	(v2sf) =	vpush v1, $0x6  }
0x9d: {  	(v2sf) =	vpush v1, $0x7  }
0x9e: {  	(v2sf) =	vpush v1, $0x8  }
0x9f: {  	(v2sf) =	vpush v1, $0x9  }
0xa0: {  	(v2sf) =	vpush v1, $0xA  }
0xa1: {  	(v2sf) =	vpush v1, $0xB;
	_ =	sdelay $0x1  }
0xa2: {  	(v2sf) =	vpush v1, $0xC  }
0xa3: {  	(v2sf) =	vpush v1, $0xD  }
0xa4: {  	s0 =	spop (v2sf);
	(v2sf) =	vpush v1, $0xE  }
0xa5: {  	s0 =	ssub.s32 s0, s14;
	s1 =	spop (v2sf);
	(v2sf) =	vpush v1, $0xF  }
0xa6: {  	p2 =	sgt.u32 s0, $0x1387;
	s20 =	ssub.s32 s1, s14;
	s1 =	spop (v2sf)  }
0xa7: {  	s0 =	smul.u32 @!p2 $0x11, s0;
	s8 =	ssub.s32 s1, s14;
	s1 =	spop (v2sf)  }
0xa8: {  	v1 =	vlaneseq.u32 @!p2;
	s1 =	ssub.s32 s1, s14;
	s21 =	spop (v2sf)  }
0xa9: {  	v1 =	vadd.s32 @!p2 s0, v1;
	s22 =	sadd.s32 @!p2 $0x10, s0;
	s0 =	ssub.s32 s21, s14;
	s21 =	spop (v2sf)  }
0xaa: {  	v2 =	vmov @!p2 s22;
	s31 =	ssub.s32 s21, s14;
	s21 =	spop (v2sf)  }
0xab: {  	v2 =	vand.u32 @!p2 $0x7FFFF, v2;
	s30 =	ssub.s32 s21, s14;
	s21 =	spop (v2sf)  }
0xac: {  	v3 =	vld @!p2 [tilespmem:s17+$0xFFFFFF80];
	v2 =	vbroadcast @!p2 v2, $0x0;
	s29 =	ssub.s32 s21, s14;
	s21 =	spop (v2sf)  }
0xad: {  	p3 =	sgt.u32 s20, $0x1387;
	s28 =	ssub.s32 s21, s14;
	s21 =	spop (v2sf)  }
0xae: {  	s20 =	smul.u32 @!p3 $0x11, s20;
	s26 =	ssub.s32 s21, s14;
	s21 =	spop (v2sf)  }
0xaf: {  	v4 =	vlaneseq.u32 @!p3;
	s25 =	ssub.s32 s21, s14;
	s21 =	spop (v2sf)  }
0xb0: {  	s22 =	simm.s32 @!p2 $0x1B00;
	v4 =	vadd.s32 @!p3 s20, v4;
	s20 =	sadd.s32 @!p3 $0x10, s20;
	s24 =	ssub.s32 s21, s14  }
0xb1: {  	[tilespmem:v1+s22+$0x0] =	vst.idx.add.f32.msk @!p2 $0xffff, v3;
	v1 =	vimm.f32 @!p2 $1.000000000e+00;
	v3 =	vmov @!p3 s20;
	s20 =	spop (v2sf)  }
0xb2: {  	[tilespmem:v2+s22+$0x0] =	vst.idx.add.f32.msk @!p2 $0x1, v1;
	v1 =	vand.u32 @!p3 $0x7FFFF, v3;
	s23 =	ssub.s32 s20, s14;
	s20 =	spop (v2sf)  }
0xb3: {  	v2 =	vld @!p3 [tilespmem:s17+$0xFFFFFF90];
	v1 =	vbroadcast @!p3 v1, $0x0;
	s22 =	ssub.s32 s20, s14;
	s20 =	spop (v2sf)  }
0xb4: {  	p2 =	sgt.u32 s8, $0x1387;
	s21 =	ssub.s32 s20, s14;
	s20 =	spop (v2sf)  }
0xb5: {  	s8 =	smul.u32 @!p2 $0x11, s8;
	s20 =	ssub.s32 s20, s14  }
0xb6: {  	v3 =	vlaneseq.u32 @!p2  }
0xb7: {  	s12 =	simm.s32 @!p3 $0x1B00;
	v3 =	vadd.s32 @!p2 s8, v3;
	s8 =	sadd.s32 @!p2 $0x10, s8  }
0xb8: {  	[tilespmem:v4+s12+$0x0] =	vst.idx.add.f32.msk @!p3 $0xffff, v2;
	v2 =	vimm.f32 @!p3 $1.000000000e+00;
	v4 =	vmov @!p2 s8  }
0xb9: {  	[tilespmem:v1+s12+$0x0] =	vst.idx.add.f32.msk @!p3 $0x1, v2;
	v1 =	vand.u32 @!p2 $0x7FFFF, v4  }
0xba: {  	v2 =	vld @!p2 [tilespmem:s17+$0xFFFFFFA0];
	v1 =	vbroadcast @!p2 v1, $0x0  }
0xbb: {  	p3 =	sgt.u32 s1, $0x1387  }
0xbc: {  	s1 =	smul.u32 @!p3 $0x11, s1  }
0xbd: {  	v4 =	vlaneseq.u32 @!p3  }
0xbe: {  	s8 =	simm.s32 @!p2 $0x1B00;
	v4 =	vadd.s32 @!p3 s1, v4;
	s1 =	sadd.s32 @!p3 $0x10, s1  }
0xbf: {  	[tilespmem:v3+s8+$0x0] =	vst.idx.add.f32.msk @!p2 $0xffff, v2;
	v2 =	vimm.f32 @!p2 $1.000000000e+00;
	v3 =	vmov @!p3 s1  }
0xc0: {  	[tilespmem:v1+s8+$0x0] =	vst.idx.add.f32.msk @!p2 $0x1, v2;
	v1 =	vand.u32 @!p3 $0x7FFFF, v3  }
0xc1: {  	v2 =	vld @!p3 [tilespmem:s17+$0xFFFFFFB0];
	v1 =	vbroadcast @!p3 v1, $0x0  }
0xc2: {  	p2 =	sgt.u32 s0, $0x1387  }
0xc3: {  	s0 =	smul.u32 @!p2 $0x11, s0  }
0xc4: {  	v3 =	vlaneseq.u32 @!p2  }
0xc5: {  	s1 =	simm.s32 @!p3 $0x1B00;
	v3 =	vadd.s32 @!p2 s0, v3;
	s0 =	sadd.s32 @!p2 $0x10, s0  }
0xc6: {  	[tilespmem:v4+s1+$0x0] =	vst.idx.add.f32.msk @!p3 $0xffff, v2;
	v2 =	vimm.f32 @!p3 $1.000000000e+00;
	v4 =	vmov @!p2 s0  }
0xc7: {  	[tilespmem:v1+s1+$0x0] =	vst.idx.add.f32.msk @!p3 $0x1, v2;
	v1 =	vand.u32 @!p2 $0x7FFFF, v4  }
0xc8: {  	v2 =	vld @!p2 [tilespmem:s17+$0xFFFFFFC0];
	v1 =	vbroadcast @!p2 v1, $0x0  }
0xc9: {  	p3 =	sgt.u32 s31, $0x1387  }
0xca: {  	s0 =	smul.u32 @!p3 $0x11, s31  }
0xcb: {  	v4 =	vlaneseq.u32 @!p3  }
0xcc: {  	s1 =	simm.s32 @!p2 $0x1B00;
	v4 =	vadd.s32 @!p3 s0, v4;
	s0 =	sadd.s32 @!p3 $0x10, s0  }
0xcd: {  	[tilespmem:v3+s1+$0x0] =	vst.idx.add.f32.msk @!p2 $0xffff, v2;
	v2 =	vimm.f32 @!p2 $1.000000000e+00;
	v3 =	vmov @!p3 s0  }
0xce: {  	[tilespmem:v1+s1+$0x0] =	vst.idx.add.f32.msk @!p2 $0x1, v2;
	v1 =	vand.u32 @!p3 $0x7FFFF, v3  }
0xcf: {  	v2 =	vld @!p3 [tilespmem:s17+$0xFFFFFFD0];
	v1 =	vbroadcast @!p3 v1, $0x0  }
0xd0: {  	p2 =	sgt.u32 s30, $0x1387  }
0xd1: {  	s0 =	smul.u32 @!p2 $0x11, s30  }
0xd2: {  	v3 =	vlaneseq.u32 @!p2  }
0xd3: {  	s1 =	simm.s32 @!p3 $0x1B00;
	v3 =	vadd.s32 @!p2 s0, v3;
	s0 =	sadd.s32 @!p2 $0x10, s0  }
0xd4: {  	[tilespmem:v4+s1+$0x0] =	vst.idx.add.f32.msk @!p3 $0xffff, v2;
	v2 =	vimm.f32 @!p3 $1.000000000e+00;
	v4 =	vmov @!p2 s0  }
0xd5: {  	[tilespmem:v1+s1+$0x0] =	vst.idx.add.f32.msk @!p3 $0x1, v2;
	v1 =	vand.u32 @!p2 $0x7FFFF, v4  }
0xd6: {  	v2 =	vld @!p2 [tilespmem:s17+$0xFFFFFFE0];
	v1 =	vbroadcast @!p2 v1, $0x0  }
0xd7: {  	p3 =	sgt.u32 s29, $0x1387  }
0xd8: {  	s0 =	smul.u32 @!p3 $0x11, s29  }
0xd9: {  	v4 =	vlaneseq.u32 @!p3  }
0xda: {  	s1 =	simm.s32 @!p2 $0x1B00;
	v4 =	vadd.s32 @!p3 s0, v4;
	s0 =	sadd.s32 @!p3 $0x10, s0  }
0xdb: {  	[tilespmem:v3+s1+$0x0] =	vst.idx.add.f32.msk @!p2 $0xffff, v2;
	v2 =	vimm.f32 @!p2 $1.000000000e+00;
	v3 =	vmov @!p3 s0  }
0xdc: {  	[tilespmem:v1+s1+$0x0] =	vst.idx.add.f32.msk @!p2 $0x1, v2;
	v1 =	vand.u32 @!p3 $0x7FFFF, v3  }
0xdd: {  	v2 =	vld @!p3 [tilespmem:s17+$0xFFFFFFF0];
	v1 =	vbroadcast @!p3 v1, $0x0  }
0xde: {  	p2 =	sgt.u32 s28, $0x1387  }
0xdf: {  	s0 =	smul.u32 @!p2 $0x11, s28;
	v3 =	vlaneseq.u32 @!p2;
	_ =	sdelay $0x1  }
0xe0: {  	s1 =	simm.s32 @!p3 $0x1B00;
	v3 =	vadd.s32 @!p2 s0, v3;
	s0 =	sadd.s32 @!p2 $0x10, s0  }
0xe1: {  	[tilespmem:v4+s1+$0x0] =	vst.idx.add.f32.msk @!p3 $0xffff, v2;
	v2 =	vimm.f32 @!p3 $1.000000000e+00;
	v4 =	vmov @!p2 s0  }
0xe2: {  	[tilespmem:v1+s1+$0x0] =	vst.idx.add.f32.msk @!p3 $0x1, v2;
	v1 =	vand.u32 @!p2 $0x7FFFF, v4  }
0xe3: {  	v2 =	vld @!p2 [tilespmem:s17+$0x0];
	v1 =	vbroadcast @!p2 v1, $0x0  }
0xe4: {  	p3 =	sgt.u32 s26, $0x1387  }
0xe5: {  	s0 =	smul.u32 @!p3 $0x11, s26  }
0xe6: {  	v4 =	vlaneseq.u32 @!p3  }
0xe7: {  	s1 =	simm.s32 @!p2 $0x1B00;
	v4 =	vadd.s32 @!p3 s0, v4;
	s0 =	sadd.s32 @!p3 $0x10, s0  }
0xe8: {  	[tilespmem:v3+s1+$0x0] =	vst.idx.add.f32.msk @!p2 $0xffff, v2;
	v2 =	vimm.f32 @!p2 $1.000000000e+00;
	v3 =	vmov @!p3 s0  }
0xe9: {  	[tilespmem:v1+s1+$0x0] =	vst.idx.add.f32.msk @!p2 $0x1, v2;
	v1 =	vand.u32 @!p3 $0x7FFFF, v3  }
0xea: {  	v2 =	vld @!p3 [tilespmem:s17+$0x10];
	v1 =	vbroadcast @!p3 v1, $0x0  }
0xeb: {  	p2 =	sgt.u32 s25, $0x1387  }
0xec: {  	s0 =	smul.u32 @!p2 $0x11, s25  }
0xed: {  	v3 =	vlaneseq.u32 @!p2  }
0xee: {  	s1 =	simm.s32 @!p3 $0x1B00;
	v3 =	vadd.s32 @!p2 s0, v3;
	s0 =	sadd.s32 @!p2 $0x10, s0  }
0xef: {  	[tilespmem:v4+s1+$0x0] =	vst.idx.add.f32.msk @!p3 $0xffff, v2;
	v2 =	vimm.f32 @!p3 $1.000000000e+00;
	v4 =	vmov @!p2 s0  }
0xf0: {  	[tilespmem:v1+s1+$0x0] =	vst.idx.add.f32.msk @!p3 $0x1, v2;
	v1 =	vand.u32 @!p2 $0x7FFFF, v4  }
0xf1: {  	v2 =	vld @!p2 [tilespmem:s17+$0x20];
	v1 =	vbroadcast @!p2 v1, $0x0  }
0xf2: {  	p3 =	sgt.u32 s24, $0x1387  }
0xf3: {  	s0 =	smul.u32 @!p3 $0x11, s24  }
0xf4: {  	v4 =	vlaneseq.u32 @!p3  }
0xf5: {  	s1 =	simm.s32 @!p2 $0x1B00;
	v4 =	vadd.s32 @!p3 s0, v4;
	s0 =	sadd.s32 @!p3 $0x10, s0  }
0xf6: {  	[tilespmem:v3+s1+$0x0] =	vst.idx.add.f32.msk @!p2 $0xffff, v2;
	v2 =	vimm.f32 @!p2 $1.000000000e+00;
	v3 =	vmov @!p3 s0  }
0xf7: {  	[tilespmem:v1+s1+$0x0] =	vst.idx.add.f32.msk @!p2 $0x1, v2;
	v1 =	vand.u32 @!p3 $0x7FFFF, v3  }
0xf8: {  	v2 =	vld @!p3 [tilespmem:s17+$0x30];
	v1 =	vbroadcast @!p3 v1, $0x0  }
0xf9: {  	p2 =	sgt.u32 s23, $0x1387  }
0xfa: {  	s0 =	smul.u32 @!p2 $0x11, s23  }
0xfb: {  	v3 =	vlaneseq.u32 @!p2  }
0xfc: {  	s1 =	simm.s32 @!p3 $0x1B00;
	v3 =	vadd.s32 @!p2 s0, v3;
	s0 =	sadd.s32 @!p2 $0x10, s0  }
0xfd: {  	[tilespmem:v4+s1+$0x0] =	vst.idx.add.f32.msk @!p3 $0xffff, v2;
	v2 =	vimm.f32 @!p3 $1.000000000e+00;
	v4 =	vmov @!p2 s0  }
0xfe: {  	[tilespmem:v1+s1+$0x0] =	vst.idx.add.f32.msk @!p3 $0x1, v2;
	v1 =	vand.u32 @!p2 $0x7FFFF, v4  }
0xff: {  	v2 =	vld @!p2 [tilespmem:s17+$0x40];
	v1 =	vbroadcast @!p2 v1, $0x0  }
0x100: {  	p3 =	sgt.u32 s22, $0x1387  }
0x101: {  	s0 =	smul.u32 @!p3 $0x11, s22  }
0x102: {  	v4 =	vlaneseq.u32 @!p3  }
0x103: {  	s1 =	simm.s32 @!p2 $0x1B00;
	v4 =	vadd.s32 @!p3 s0, v4;
	s0 =	sadd.s32 @!p3 $0x10, s0  }
0x104: {  	[tilespmem:v3+s1+$0x0] =	vst.idx.add.f32.msk @!p2 $0xffff, v2;
	v2 =	vimm.f32 @!p2 $1.000000000e+00;
	v3 =	vmov @!p3 s0  }
0x105: {  	[tilespmem:v1+s1+$0x0] =	vst.idx.add.f32.msk @!p2 $0x1, v2;
	v1 =	vand.u32 @!p3 $0x7FFFF, v3  }
0x106: {  	v2 =	vld @!p3 [tilespmem:s17+$0x50];
	v1 =	vbroadcast @!p3 v1, $0x0  }
0x107: {  	p4 =	sgt.u32 s21, $0x1387  }
0x108: {  	s0 =	smul.u32 @!p4 $0x11, s21;
	v3 =	vlaneseq.u32 @!p4;
	_ =	sdelay $0x1  }
0x109: {  	s1 =	simm.s32 @!p3 $0x1B00;
	v3 =	vadd.s32 @!p4 s0, v3;
	s0 =	sadd.s32 @!p4 $0x10, s0  }
0x10a: {  	[tilespmem:v4+s1+$0x0] =	vst.idx.add.f32.msk @!p3 $0xffff, v2;
	v2 =	vimm.f32 @!p3 $1.000000000e+00;
	v4 =	vmov @!p4 s0  }
0x10b: {  	[tilespmem:v1+s1+$0x0] =	vst.idx.add.f32.msk @!p3 $0x1, v2;
	v1 =	vand.u32 @!p4 $0x7FFFF, v4  }
0x10c: {  	v2 =	vld @!p4 [tilespmem:s17+$0x60];
	v1 =	vbroadcast @!p4 v1, $0x0  }
0x10d: {  	p2 =	sgt.u32 s20, $0x1387  }
0x10e: {  	s0 =	smul.u32 @!p2 $0x11, s20  }
0x10f: {  	v4 =	vlaneseq.u32 @!p2  }
0x110: {  	s1 =	simm.s32 @!p4 $0x1B00;
	v4 =	vadd.s32 @!p2 s0, v4;
	s0 =	sadd.s32 @!p2 $0x10, s0  }
0x111: {  	[tilespmem:v3+s1+$0x0] =	vst.idx.add.f32.msk @!p4 $0xffff, v2;
	v2 =	vimm.f32 @!p4 $1.000000000e+00;
	v3 =	vmov @!p2 s0  }
0x112: {  	[tilespmem:v1+s1+$0x0] =	vst.idx.add.f32.msk @!p4 $0x1, v2;
	v1 =	vand.u32 @!p2 $0x7FFFF, v3  }
0x113: {  	v2 =	vld @!p2 [tilespmem:s17+$0x70];
	v1 =	vbroadcast @!p2 v1, $0x0  }
.Ltmp1:
0x114: {  	(pc) =	sbr.rel @p1 .LBB2_6-.Ltmp1, $3  }
0x115: {  	_ =	sdelay $0x1  }
0x116: {  	s0 =	simm.s32 @!p2 $0x1B00  }
0x117: {  	[tilespmem:v4+s0+$0x0] =	vst.idx.add.f32.msk @!p2 $0xffff, v2;
	v2 =	vimm.f32 @!p2 $1.000000000e+00  }
0x118: {  	_ =	sdelay $0x3  }
0x119: {  	s1 =	sshra.s32 s19, $0x2;
	[tilespmem:v1+s0+$0x0] =	vst.idx.add.f32.msk @!p2 $0x1, v2  }
0x11a: {  	v1 =	vld [tilespmem:s1+$0x0];
	_ =	sdelay $0x4  }
0x11b: {  	(v2sf) =	vpush v1, $0x0;
	_ =	sdelay $0x6  }
0x11c: {  	(v2sf) =	vpush v1, $0x1;
	_ =	sdelay $0x6  }
0x11d: {  	(v2sf) =	vpush v1, $0x2  }
0x11e: {  	s1 =	spop (v2sf)  }
0x11f: {  	s0 =	ssub.s32 s1, s14  }
0x120: {  	p2 =	sgt.u32 s0, $0x1387  }
0x121: {  	s0 =	smul.u32 @!p2 $0x11, s0;
	_ =	sdelay $0x1  }
0x122: {  	s1 =	sadd.s32 @!p2 $0x10, s0  }
0x123: {  	(v2sf) =	vpush v1, $0x3;
	v2 =	vmov @!p2 s1  }
0x124: {  	s17 =	sadd.s32 $0x100, s17;
	s8 =	spop (v2sf);
	v3 =	vlaneseq.u32 @!p2;
	v2 =	vand.u32 @!p2 $0x7FFFF, v2  }
0x125: {  	v4 =	vld @!p2 [tilespmem:s17+$0xFFFFFF80];
	v3 =	vadd.s32 @!p2 s0, v3;
	s1 =	ssub.s32 s8, s14;
	v2 =	vbroadcast @!p2 v2, $0x0  }
0x126: {  	p1 =	sgt.u32 s1, $0x1387  }
0x127: {  	s0 =	smul.u32 @!p1 $0x11, s1;
	_ =	sdelay $0x1  }
0x128: {  	s1 =	simm.s32 @!p2 $0x1B00;
	s8 =	sadd.s32 @!p1 $0x10, s0  }
0x129: {  	(v2sf) =	vpush v1, $0x4;
	[tilespmem:v3+s1+$0x0] =	vst.idx.add.f32.msk @!p2 $0xffff, v4;
	v3 =	vimm.f32 @!p2 $1.000000000e+00;
	v4 =	vmov @!p1 s8  }
0x12a: {  	s12 =	spop (v2sf);
	[tilespmem:v2+s1+$0x0] =	vst.idx.add.f32.msk @!p2 $0x1, v3;
	v2 =	vlaneseq.u32 @!p1;
	v3 =	vand.u32 @!p1 $0x7FFFF, v4  }
0x12b: {  	s1 =	ssub.s32 s12, s14;
	v2 =	vadd.s32 @!p1 s0, v2;
	v4 =	vld @!p1 [tilespmem:s17+$0xFFFFFF90];
	v3 =	vbroadcast @!p1 v3, $0x0  }
0x12c: {  	p2 =	sgt.u32 s1, $0x1387  }
0x12d: {  	s0 =	smul.u32 @!p2 $0x11, s1;
	_ =	sdelay $0x1  }
0x12e: {  	s1 =	simm.s32 @!p1 $0x1B00;
	s8 =	sadd.s32 @!p2 $0x10, s0  }
0x12f: {  	(v2sf) =	vpush v1, $0x5;
	[tilespmem:v2+s1+$0x0] =	vst.idx.add.f32.msk @!p1 $0xffff, v4;
	v2 =	vimm.f32 @!p1 $1.000000000e+00;
	v4 =	vmov @!p2 s8  }
0x130: {  	s18 =	spop (v2sf);
	[tilespmem:v3+s1+$0x0] =	vst.idx.add.f32.msk @!p1 $0x1, v2;
	v2 =	vlaneseq.u32 @!p2;
	v3 =	vand.u32 @!p2 $0x7FFFF, v4  }
0x131: {  	s1 =	ssub.s32 s18, s14;
	v2 =	vadd.s32 @!p2 s0, v2;
	v4 =	vld @!p2 [tilespmem:s17+$0xFFFFFFA0];
	v3 =	vbroadcast @!p2 v3, $0x0  }
0x132: {  	p1 =	sgt.u32 s1, $0x1387  }
0x133: {  	s0 =	smul.u32 @!p1 $0x11, s1;
	_ =	sdelay $0x1  }
0x134: {  	s1 =	simm.s32 @!p2 $0x1B00;
	s8 =	sadd.s32 @!p1 $0x10, s0  }
0x135: {  	(v2sf) =	vpush v1, $0x6;
	[tilespmem:v2+s1+$0x0] =	vst.idx.add.f32.msk @!p2 $0xffff, v4;
	v2 =	vimm.f32 @!p2 $1.000000000e+00;
	v4 =	vmov @!p1 s8  }
0x136: {  	s19 =	spop (v2sf);
	[tilespmem:v3+s1+$0x0] =	vst.idx.add.f32.msk @!p2 $0x1, v2;
	v2 =	vlaneseq.u32 @!p1;
	v3 =	vand.u32 @!p1 $0x7FFFF, v4  }
0x137: {  	s1 =	ssub.s32 s19, s14;
	v2 =	vadd.s32 @!p1 s0, v2;
	v4 =	vld @!p1 [tilespmem:s17+$0xFFFFFFB0];
	v3 =	vbroadcast @!p1 v3, $0x0  }
0x138: {  	p2 =	sgt.u32 s1, $0x1387  }
0x139: {  	s0 =	smul.u32 @!p2 $0x11, s1;
	_ =	sdelay $0x1  }
0x13a: {  	s1 =	simm.s32 @!p1 $0x1B00;
	s8 =	sadd.s32 @!p2 $0x10, s0  }
0x13b: {  	(v2sf) =	vpush v1, $0x7;
	[tilespmem:v2+s1+$0x0] =	vst.idx.add.f32.msk @!p1 $0xffff, v4;
	v2 =	vimm.f32 @!p1 $1.000000000e+00;
	v4 =	vmov @!p2 s8  }
0x13c: {  	s20 =	spop (v2sf);
	[tilespmem:v3+s1+$0x0] =	vst.idx.add.f32.msk @!p1 $0x1, v2;
	v2 =	vlaneseq.u32 @!p2;
	v3 =	vand.u32 @!p2 $0x7FFFF, v4  }
0x13d: {  	s1 =	ssub.s32 s20, s14;
	v2 =	vadd.s32 @!p2 s0, v2;
	v4 =	vld @!p2 [tilespmem:s17+$0xFFFFFFC0];
	v3 =	vbroadcast @!p2 v3, $0x0  }
0x13e: {  	p1 =	sgt.u32 s1, $0x1387  }
0x13f: {  	s0 =	smul.u32 @!p1 $0x11, s1;
	_ =	sdelay $0x1  }
0x140: {  	s1 =	simm.s32 @!p2 $0x1B00;
	s8 =	sadd.s32 @!p1 $0x10, s0  }
0x141: {  	(v2sf) =	vpush v1, $0x8;
	[tilespmem:v2+s1+$0x0] =	vst.idx.add.f32.msk @!p2 $0xffff, v4;
	v2 =	vimm.f32 @!p2 $1.000000000e+00;
	v4 =	vmov @!p1 s8  }
0x142: {  	s21 =	spop (v2sf);
	[tilespmem:v3+s1+$0x0] =	vst.idx.add.f32.msk @!p2 $0x1, v2;
	v2 =	vlaneseq.u32 @!p1;
	v3 =	vand.u32 @!p1 $0x7FFFF, v4  }
0x143: {  	s1 =	ssub.s32 s21, s14;
	v2 =	vadd.s32 @!p1 s0, v2;
	v4 =	vld @!p1 [tilespmem:s17+$0xFFFFFFD0];
	v3 =	vbroadcast @!p1 v3, $0x0  }
0x144: {  	p2 =	sgt.u32 s1, $0x1387  }
0x145: {  	s0 =	smul.u32 @!p2 $0x11, s1;
	_ =	sdelay $0x1  }
0x146: {  	s1 =	simm.s32 @!p1 $0x1B00;
	s8 =	sadd.s32 @!p2 $0x10, s0  }
0x147: {  	(v2sf) =	vpush v1, $0x9;
	[tilespmem:v2+s1+$0x0] =	vst.idx.add.f32.msk @!p1 $0xffff, v4;
	v2 =	vimm.f32 @!p1 $1.000000000e+00;
	v4 =	vmov @!p2 s8  }
0x148: {  	s22 =	spop (v2sf);
	[tilespmem:v3+s1+$0x0] =	vst.idx.add.f32.msk @!p1 $0x1, v2;
	v2 =	vlaneseq.u32 @!p2;
	v3 =	vand.u32 @!p2 $0x7FFFF, v4  }
0x149: {  	s1 =	ssub.s32 s22, s14;
	v2 =	vadd.s32 @!p2 s0, v2;
	v4 =	vld @!p2 [tilespmem:s17+$0xFFFFFFE0];
	v3 =	vbroadcast @!p2 v3, $0x0  }
0x14a: {  	p1 =	sgt.u32 s1, $0x1387  }
0x14b: {  	s0 =	smul.u32 @!p1 $0x11, s1;
	_ =	sdelay $0x1  }
0x14c: {  	s1 =	simm.s32 @!p2 $0x1B00;
	s8 =	sadd.s32 @!p1 $0x10, s0  }
0x14d: {  	(v2sf) =	vpush v1, $0xA;
	[tilespmem:v2+s1+$0x0] =	vst.idx.add.f32.msk @!p2 $0xffff, v4;
	v2 =	vimm.f32 @!p2 $1.000000000e+00;
	v4 =	vmov @!p1 s8  }
0x14e: {  	s23 =	spop (v2sf);
	[tilespmem:v3+s1+$0x0] =	vst.idx.add.f32.msk @!p2 $0x1, v2;
	v2 =	vlaneseq.u32 @!p1;
	v3 =	vand.u32 @!p1 $0x7FFFF, v4  }
0x14f: {  	s1 =	ssub.s32 s23, s14;
	v2 =	vadd.s32 @!p1 s0, v2;
	v4 =	vld @!p1 [tilespmem:s17+$0xFFFFFFF0];
	v3 =	vbroadcast @!p1 v3, $0x0  }
0x150: {  	p2 =	sgt.u32 s1, $0x1387  }
0x151: {  	s0 =	smul.u32 @!p2 $0x11, s1;
	_ =	sdelay $0x1  }
0x152: {  	s1 =	simm.s32 @!p1 $0x1B00;
	s8 =	sadd.s32 @!p2 $0x10, s0  }
0x153: {  	(v2sf) =	vpush v1, $0xB;
	[tilespmem:v2+s1+$0x0] =	vst.idx.add.f32.msk @!p1 $0xffff, v4;
	v2 =	vimm.f32 @!p1 $1.000000000e+00;
	v4 =	vmov @!p2 s8  }
0x154: {  	s24 =	spop (v2sf);
	[tilespmem:v3+s1+$0x0] =	vst.idx.add.f32.msk @!p1 $0x1, v2;
	v2 =	vlaneseq.u32 @!p2;
	v3 =	vand.u32 @!p2 $0x7FFFF, v4  }
0x155: {  	s1 =	ssub.s32 s24, s14;
	v2 =	vadd.s32 @!p2 s0, v2;
	v4 =	vld @!p2 [tilespmem:s17+$0x0];
	v3 =	vbroadcast @!p2 v3, $0x0  }
0x156: {  	p1 =	sgt.u32 s1, $0x1387  }
0x157: {  	s0 =	smul.u32 @!p1 $0x11, s1;
	_ =	sdelay $0x1  }
0x158: {  	s1 =	simm.s32 @!p2 $0x1B00;
	s8 =	sadd.s32 @!p1 $0x10, s0  }
0x159: {  	(v2sf) =	vpush v1, $0xC;
	[tilespmem:v2+s1+$0x0] =	vst.idx.add.f32.msk @!p2 $0xffff, v4;
	v2 =	vimm.f32 @!p2 $1.000000000e+00;
	v4 =	vmov @!p1 s8  }
0x15a: {  	s25 =	spop (v2sf);
	[tilespmem:v3+s1+$0x0] =	vst.idx.add.f32.msk @!p2 $0x1, v2;
	v2 =	vlaneseq.u32 @!p1;
	v3 =	vand.u32 @!p1 $0x7FFFF, v4  }
0x15b: {  	s1 =	ssub.s32 s25, s14;
	v2 =	vadd.s32 @!p1 s0, v2;
	v4 =	vld @!p1 [tilespmem:s17+$0x10];
	v3 =	vbroadcast @!p1 v3, $0x0  }
0x15c: {  	p2 =	sgt.u32 s1, $0x1387  }
0x15d: {  	s0 =	smul.u32 @!p2 $0x11, s1;
	_ =	sdelay $0x1  }
0x15e: {  	s1 =	simm.s32 @!p1 $0x1B00;
	s8 =	sadd.s32 @!p2 $0x10, s0  }
0x15f: {  	(v2sf) =	vpush v1, $0xD;
	[tilespmem:v2+s1+$0x0] =	vst.idx.add.f32.msk @!p1 $0xffff, v4;
	v2 =	vimm.f32 @!p1 $1.000000000e+00;
	v4 =	vmov @!p2 s8  }
0x160: {  	s26 =	spop (v2sf);
	[tilespmem:v3+s1+$0x0] =	vst.idx.add.f32.msk @!p1 $0x1, v2;
	v2 =	vlaneseq.u32 @!p2;
	v3 =	vand.u32 @!p2 $0x7FFFF, v4  }
0x161: {  	s1 =	ssub.s32 s26, s14;
	v2 =	vadd.s32 @!p2 s0, v2;
	v4 =	vld @!p2 [tilespmem:s17+$0x20];
	v3 =	vbroadcast @!p2 v3, $0x0  }
0x162: {  	p1 =	sgt.u32 s1, $0x1387  }
0x163: {  	s0 =	smul.u32 @!p1 $0x11, s1;
	_ =	sdelay $0x1  }
0x164: {  	s1 =	simm.s32 @!p2 $0x1B00;
	s8 =	sadd.s32 @!p1 $0x10, s0  }
0x165: {  	(v2sf) =	vpush v1, $0xE;
	[tilespmem:v2+s1+$0x0] =	vst.idx.add.f32.msk @!p2 $0xffff, v4;
	v2 =	vimm.f32 @!p2 $1.000000000e+00;
	v4 =	vmov @!p1 s8  }
0x166: {  	s28 =	spop (v2sf);
	[tilespmem:v3+s1+$0x0] =	vst.idx.add.f32.msk @!p2 $0x1, v2;
	v2 =	vlaneseq.u32 @!p1;
	v3 =	vand.u32 @!p1 $0x7FFFF, v4  }
0x167: {  	s1 =	ssub.s32 s28, s14;
	v2 =	vadd.s32 @!p1 s0, v2;
	v4 =	vld @!p1 [tilespmem:s17+$0x30];
	v3 =	vbroadcast @!p1 v3, $0x0  }
0x168: {  	p2 =	sgt.u32 s1, $0x1387  }
0x169: {  	s0 =	smul.u32 @!p2 $0x11, s1;
	_ =	sdelay $0x1  }
0x16a: {  	s1 =	simm.s32 @!p1 $0x1B00;
	s8 =	sadd.s32 @!p2 $0x10, s0  }
0x16b: {  	(v2sf) =	vpush v1, $0xF;
	v1 =	vimm.f32 @!p1 $1.000000000e+00;
	[tilespmem:v2+s1+$0x0] =	vst.idx.add.f32.msk @!p1 $0xffff, v4;
	v2 =	vmov @!p2 s8  }
0x16c: {  	s29 =	spop (v2sf);
	v4 =	vlaneseq.u32 @!p2;
	[tilespmem:v3+s1+$0x0] =	vst.idx.add.f32.msk @!p1 $0x1, v1;
	v1 =	vand.u32 @!p2 $0x7FFFF, v2  }
0x16d: {  	s1 =	ssub.s32 s29, s14;
	v2 =	vadd.s32 @!p2 s0, v4;
	v3 =	vld @!p2 [tilespmem:s17+$0x40];
	v1 =	vbroadcast @!p2 v1, $0x0  }
0x16e: {  	p1 =	sgt.u32 s1, $0x1387  }
0x16f: {  	s0 =	smul.u32 @!p1 $0x11, s1;
	_ =	sdelay $0x1  }
0x170: {  	s1 =	simm.s32 @!p2 $0x1B00;
	s8 =	sadd.s32 @!p1 $0x10, s0  }
0x171: {  	[tilespmem:v2+s1+$0x0] =	vst.idx.add.f32.msk @!p2 $0xffff, v3;
	v2 =	vimm.f32 @!p2 $1.000000000e+00;
	v3 =	vmov @!p1 s8  }
0x172: {  	s30 =	spop (v2sf);
	v4 =	vlaneseq.u32 @!p1;
	[tilespmem:v1+s1+$0x0] =	vst.idx.add.f32.msk @!p2 $0x1, v2;
	v1 =	vand.u32 @!p1 $0x7FFFF, v3  }
0x173: {  	s1 =	ssub.s32 s30, s14;
	v2 =	vadd.s32 @!p1 s0, v4;
	v3 =	vld @!p1 [tilespmem:s17+$0x50];
	v1 =	vbroadcast @!p1 v1, $0x0  }
0x174: {  	p2 =	sgt.u32 s1, $0x1387  }
0x175: {  	s0 =	smul.u32 @!p2 $0x11, s1;
	_ =	sdelay $0x1  }
0x176: {  	s1 =	simm.s32 @!p1 $0x1B00;
	s8 =	sadd.s32 @!p2 $0x10, s0  }
0x177: {  	[tilespmem:v2+s1+$0x0] =	vst.idx.add.f32.msk @!p1 $0xffff, v3;
	v2 =	vimm.f32 @!p1 $1.000000000e+00;
	v3 =	vmov @!p2 s8  }
0x178: {  	s31 =	spop (v2sf);
	v4 =	vlaneseq.u32 @!p2;
	[tilespmem:v1+s1+$0x0] =	vst.idx.add.f32.msk @!p1 $0x1, v2;
	v1 =	vand.u32 @!p2 $0x7FFFF, v3  }
0x179: {  	s1 =	ssub.s32 s31, s14;
	v2 =	vadd.s32 @!p2 s0, v4;
	v3 =	vld @!p2 [tilespmem:s17+$0x60];
	v1 =	vbroadcast @!p2 v1, $0x0  }
0x17a: {  	p1 =	sgt.u32 s1, $0x1387  }
0x17b: {  	s0 =	smul.u32 @!p1 $0x11, s1;
	_ =	sdelay $0x1  }
0x17c: {  	s1 =	simm.s32 @!p2 $0x1B00;
	s8 =	sadd.s32 @!p1 $0x10, s0  }
0x17d: {  	[tilespmem:v2+s1+$0x0] =	vst.idx.add.f32.msk @!p2 $0xffff, v3;
	v2 =	vimm.f32 @!p2 $1.000000000e+00;
	v3 =	vmov @!p1 s8  }
0x17e: {  	v4 =	vlaneseq.u32 @!p1;
	[tilespmem:v1+s1+$0x0] =	vst.idx.add.f32.msk @!p2 $0x1, v2;
	v1 =	vand.u32 @!p1 $0x7FFFF, v3  }
0x17f: {  	s16 =	sadd.s32 $0x1, s16;
	v2 =	vadd.s32 @!p1 s0, v4;
	v3 =	vld @!p1 [tilespmem:s17+$0x70];
	v1 =	vbroadcast @!p1 v1, $0x0  }
0x180: {  	p2 =	sne.s32 s16, $0x19  }
.Ltmp2:
0x181: {  	_ = 	snop;
	(pc) =	sbr.rel @p2 .LBB2_5-.Ltmp2, $4  }
0x182: {  	_ = 	snop  }
0x183: {  	s0 =	simm.s32 @!p1 $0x1B00  }
0x184: {  	[tilespmem:v2+s0+$0x0] =	vst.idx.add.f32.msk @!p1 $0xffff, v3;
	v2 =	vimm.f32 @!p1 $1.000000000e+00  }
0x185: {  	[tilespmem:v1+s0+$0x0] =	vst.idx.add.f32.msk @!p1 $0x1, v2  }
0x186: {  	s0 =	smul.u32 $0x14C08, s13;
	_ =	sdelay $0x1  }
0x187: {  	s0 =	sadd.s32 s7, s0  }
0x188: {  	s0 =	sshrl.u32 s0, $0x3  }
.Ltmp3:
0x189: {  	s13 =	simm.s32 $0x1;
	s0 =	sadd.s32 s5, s0;
	(pc) =	sbr.rel @p0 .LBB2_2-.Ltmp3, $4  }
0x18a: {  	[hbm4b:s0+s2] =	stream.linear.scatter [tilespmem:s11], [sflag:$0x1], $0x14C08, $0x38;
	[tilespmem:$0x16780] =	vst v63  }
0x18b: {  	_ =	swait.ge [sflag:s13], $0x14C08  }
0x18c: {  	[sflag:s13] =	ssyncset.done $0x0  }
0x18d: {  	p1 =	por $0x0, $0x0;
	[sflag:s13] =	ssyncadd.s32 $0xFFFEB3F8  }
0x18e: {  	s1 =	rddreg [dreg:$0x3]  }
0x18f: {  	s0 =	rddreg [dreg:$0x2];
	s1 =	sadd.s32 $0x1, s1  }
0x190: {  	p0 =	sne.s32 s1, s0  }
.Ltmp4:
0x191: {  	_ = 	snop;
	(pc) =	sbr.rel @p0 .LBB2_1-.Ltmp4, $1  }
0x192: {  	_ =	sdelay $0x3  }
0x193: {  	_ =	sfence.sel $0x180000  }
0x194: {  	[bflag:$0x0] =	sbarrier.arrive $0xFFFF  }
0x195: {  	_ =	strace $0x9000004A  }
0x196: {  	s0 =	stileid.u32;
	[bflag:$0x2] =	sbarrier.arrive $0xFFFF  }
0x197: {  	p0 =	sne.s32 s0, $0x0;
	s0 =	rddreg [dreg:$0x1]  }
0x198: {  	s0 =	sadd.s32 @!p0 $0x100000, s0  }
0x199: {  	[sflag:s0] =	ssyncadd.tile.s32 @!p0 $0x1;
	_ =	shalt  }
.Lfunc_end2:
_tile_overlayer_lowered:
.L_overlay_start_2:
0x19a: {  	(tag) =	ssettag $0x2  }
0x19b: {  	s0 =	rddreg [dreg:$0x0];
	s2 =	stileid.u32  }
0x19c: {  	s1 =	rddreg [dreg:$0x1];
	p0 =	sne.s32 s2, $0x0  }
0x19d: {  	s3 =	rddreg [dreg:$0x2];
	[bflag:$0x3] =	sbarrier.arrive $0xFFFF;
	s2 =	simm.s32 @!p0 $0x1C01  }
0x19e: {  	[timem:s3], [sflag:s2] =	dma.local @!p0 [hbm:s0], s1  }
0x19f: {  	s0 =	simm.s32 @!p0 $0x1  }
0x1a0: {  	_ =	swait.ge @!p0 [sflag:s0], s1  }
0x1a1: {  	s1 =	ssub.s32 @!p0 $0x0, s1;
	[sflag:s0] =	ssyncset.done @!p0 $0x0  }
0x1a2: {  	[sflag:s0] =	ssyncadd.s32 @!p0 s1  }
0x1a3: {  	[bflag:$0x3] =	sbarrier.arrive $0xFFFF  }
0x1a4: {  	_ =	shalt  }

</sc_bundles>
